<compile_context>
chip_gen: v7x
topology: tpu7x:2x2x1
jax: 0.10.2.dev20260603
libtpu: 0.0.44.dev20260713+nightly
codegen_flags: <defaults>
</compile_context>

<pallas_src>
import functools

import jax
import jax.numpy as jnp
from jax import lax
from jax.experimental import pallas as pl
from jax.experimental.pallas import tpu as pltpu
from jax.experimental.pallas import tpu_sc as plsc

_L = 16
_NC = 2
_NS = 16
_NW = _NC * _NS


def _bcast_lane(vec, lane):
    idx = jnp.full((_L, 1), lane, dtype=jnp.int32)
    dn = lax.GatherDimensionNumbers(
        offset_dims=(), collapsed_slice_dims=(0,), start_index_map=(0,))
    return lax.gather(vec, idx, dn, (1,),
                      mode=lax.GatherScatterMode.PROMISE_IN_BOUNDS)


@functools.lru_cache(maxsize=None)
def _make_fm(B, F, C):
    BPW = B // _NW
    NCHUNK = BPW // C
    N = C * F

    mesh = plsc.VectorSubcoreMesh(core_axis_name="c", subcore_axis_name="s")

    @functools.partial(
        pl.kernel,
        out_type=jax.ShapeDtypeStruct((B * _L,), jnp.float32),
        mesh=mesh,
        compiler_params=pltpu.CompilerParams(use_tc_tiling_on_sc=False,
                                             needs_layout_passes=False),
        scratch_types=[
            pltpu.VMEM((C, F), jnp.int32),
            pltpu.VMEM((N,), jnp.int32),
            pltpu.VMEM((C, F), jnp.float32),
            pltpu.VMEM((N, _L), jnp.float32),
            pltpu.VMEM((N,), jnp.float32),
            pltpu.VMEM((C * _L,), jnp.float32),
            pltpu.SemaphoreType.DMA,
        ],
    )
    def fm(idx_hbm, vals_hbm, emb_hbm, w_hbm, out_hbm,
           idx2_v, idx_v, vals_v, rows_v, w_v, tot_v, sem):
        wid = lax.axis_index("s") * _NC + lax.axis_index("c")
        base = wid * BPW
        lanes = lax.iota(jnp.int32, _L)
        lin_mask = (lanes >= (2 * _L - F)).astype(jnp.float32)

        def chunk_body(ci, carry):
            cbase = pl.multiple_of(base + ci * C, C)
            pltpu.sync_copy(idx_hbm.at[pl.ds(cbase, C)], idx2_v)
            pltpu.sync_copy(vals_hbm.at[pl.ds(cbase, C)], vals_v)

            def flat_body(b, fcarry):
                idx_v[pl.ds(b * F, _L)] = idx2_v[b, 0:_L]
                idx_v[pl.ds(b * F + F - _L, _L)] = idx2_v[b, F - _L:F]
                return fcarry

            lax.fori_loop(0, C, flat_body, 0)

            cp_e = pltpu.async_copy(emb_hbm.at[idx_v], rows_v, sem)
            cp_w = pltpu.async_copy(w_hbm.at[idx_v], w_v, sem)
            cp_e.wait()
            cp_w.wait()

            def row_body(b, rcarry):
                va = vals_v[b, 0:_L]
                vb = vals_v[b, F - _L:F]
                accs = [jnp.zeros((_L,), jnp.float32) for _ in range(4)]
                accq = [jnp.zeros((_L,), jnp.float32) for _ in range(4)]
                for f in range(F):
                    row = rows_v[b * F + f, :]
                    if f < _L:
                        valv = _bcast_lane(va, f)
                    else:
                        valv = _bcast_lane(vb, f - (F - _L))
                    t = row * valv
                    accs[f % 4] = accs[f % 4] + t
                    accq[f % 4] = accq[f % 4] + t * t
                acc_s = (accs[0] + accs[1]) + (accs[2] + accs[3])
                acc_q = (accq[0] + accq[1]) + (accq[2] + accq[3])
                wa = w_v[pl.ds(b * F, _L)]
                wb = w_v[pl.ds(b * F + F - _L, _L)]
                tot_v[pl.ds(b * _L, _L)] = (0.5 * (acc_s * acc_s - acc_q)
                                            + va * wa + lin_mask * (vb * wb))
                return rcarry

            lax.fori_loop(0, C, row_body, 0)
            pltpu.sync_copy(tot_v, out_hbm.at[pl.ds(cbase * _L, C * _L)])
            return carry

        lax.fori_loop(0, NCHUNK, chunk_body, 0)

    return fm


@functools.lru_cache(maxsize=None)
def _make_wcopy(V):
    NWRK = 8
    S = V // NWRK
    mesh = plsc.VectorSubcoreMesh(core_axis_name="c", subcore_axis_name="s")

    @functools.partial(
        pl.kernel,
        out_type=jax.ShapeDtypeStruct((V,), jnp.float32),
        mesh=mesh,
        compiler_params=pltpu.CompilerParams(use_tc_tiling_on_sc=False,
                                             needs_layout_passes=False),
        scratch_types=[],
    )
    def wcopy(w_hbm, out_hbm):
        wid = lax.axis_index("s") * _NC + lax.axis_index("c")

        @pl.when(wid < NWRK)
        def _():
            off = pl.multiple_of(wid * S, S)
            pltpu.sync_copy(w_hbm.at[0, pl.ds(off, S)],
                            out_hbm.at[pl.ds(off, S)])

    return wcopy


def _tc_finish(t_ref, bias_ref, o_ref):
    x = jnp.sum(t_ref[...], axis=1, keepdims=True) + bias_ref[0]
    o_ref[...] = 1.0 / (1.0 + jnp.exp(-x))


@functools.lru_cache(maxsize=None)
def _make_finish(B):
    BLK = 2048
    return pl.pallas_call(
        _tc_finish,
        grid=(B // BLK,),
        in_specs=[
            pl.BlockSpec((BLK, _L), lambda i: (i, 0)),
            pl.BlockSpec(memory_space=pltpu.SMEM),
        ],
        out_specs=pl.BlockSpec((BLK, 1), lambda i: (i, 0)),
        out_shape=jax.ShapeDtypeStruct((B, 1), jnp.float32),
    )


@jax.jit
def kernel(feature_idx, feature_vals, feature_embedding, linear_w, bias):
    B, F = feature_idx.shape
    w_flat = _make_wcopy(linear_w.shape[0])(linear_w.T)
    tots = _make_fm(B, F, 128)(feature_idx, feature_vals,
                               feature_embedding, w_flat)
    return _make_finish(B)(tots.reshape(B, _L), bias)

# --- scband reference (transcript-rebuilt; emitter-appended) ---
"""Pipeline reference for scband-fm-77558519431750 (READ-ONLY COPY).

The authoritative reference and input builder live on the scoring server;
editing this copy changes nothing except your own understanding.
"""

import jax, jax.numpy as jnp
import numpy as np

FEATURE_DIM = 1000000
EMBED_DIM = 16
BATCH = 16384
FIELDS = 26


def setup_inputs(seed: int = 0) -> dict:
    key = jax.random.key(seed)
    k1, k2, k3, k4, k5 = jax.random.split(key, 5)
    feature_idx = jax.random.randint(k1, (BATCH, FIELDS), 0, FEATURE_DIM, dtype=jnp.int64 if jax.config.jax_enable_x64 else jnp.int32).astype(jnp.int32)
    feature_vals = jax.random.uniform(k2, (BATCH, FIELDS), dtype=jnp.float32)
    feature_embedding = jax.random.normal(k3, (FEATURE_DIM, EMBED_DIM), dtype=jnp.float32) * 0.05
    linear_w = jax.random.normal(k4, (FEATURE_DIM, 1), dtype=jnp.float32) * 0.05
    bias = jnp.zeros((1,), dtype=jnp.float32)
    return {
        "feature_idx": feature_idx,
        "feature_vals": feature_vals,
        "feature_embedding": feature_embedding,
        "linear_w": linear_w,
        "bias": bias,
    }


def reference(feature_idx, feature_vals, feature_embedding, linear_w, bias):
    # Linear section: sum_i w[f_i] * x_i  (+ bias)
    w_gather = jnp.take(linear_w, feature_idx, axis=0)[..., 0]  # [B, F]
    linear_term = jnp.sum(w_gather * feature_vals, axis=1, keepdims=True) + bias  # [B, 1]

    # FM section: 0.5 * ((sum_i v_i x_i)^2 - sum_i (v_i x_i)^2) per embedding dim
    emb = jnp.take(feature_embedding, feature_idx, axis=0)  # [B, F, D]
    weighted = emb * feature_vals[..., None]  # [B, F, D]
    sum_then_sq = jnp.square(jnp.sum(weighted, axis=1))  # [B, D]
    sq_then_sum = jnp.sum(jnp.square(weighted), axis=1)  # [B, D]
    fm_output = 0.5 * (sum_then_sq - sq_then_sum)  # [B, D]
    fm_term = jnp.sum(fm_output, axis=1, keepdims=True)  # [B, 1]

    combine_term = linear_term + fm_term
    predictions = jax.nn.sigmoid(combine_term)
    return predictions

if __name__ == "__main__":
    import jax
    _d = setup_inputs()
    print(jax.jit(kernel)(*tuple(_d.values())))

</pallas_src>

<mosaic_0001>
#map = affine_map<(d0, d1) -> (0, 0)>
#map1 = affine_map<(d0, d1) -> (0)>
module attributes {stable_mosaic.version = 14 : i64} {
  func.func @fm(%arg0: i32, %arg1: i32, %arg2: memref<16384x26xi32, #tpu.memory_space<hbm>>, %arg3: memref<16384x26xf32, #tpu.memory_space<hbm>>, %arg4: memref<1000000x16xf32, #tpu.memory_space<hbm>>, %arg5: memref<1000000xf32, #tpu.memory_space<hbm>>, %arg6: memref<262144xf32, #tpu.memory_space<hbm>>, %arg7: memref<128x26xi32, #tpu.memory_space<vmem>>, %arg8: memref<3328xi32, #tpu.memory_space<vmem>>, %arg9: memref<128x26xf32, #tpu.memory_space<vmem>>, %arg10: memref<3328x16xf32, #tpu.memory_space<vmem>>, %arg11: memref<3328xf32, #tpu.memory_space<vmem>>, %arg12: memref<2048xf32, #tpu.memory_space<vmem>>, %arg13: memref<!tpu.dma_semaphore, #tpu.memory_space<semaphore_mem>>) attributes {dimension_semantics = [#tpu.dimension_semantics<core_parallel>, #tpu.dimension_semantics<subcore_parallel>], iteration_bounds = array<i64: 2, 16>, scalar_prefetch = 0 : i64, scratch_operands = 7 : i64, tpu.core_type = #tpu.core_type<sc_vector_subcore>, window_params = [{transform_indices = #map}, {transform_indices = #map}, {transform_indices = #map}, {transform_indices = #map1}, {transform_indices = #map1}]} {
    %mul3A = arith.constant 2 : i32
    %mul3A_0 = arith.muli %arg1, %mul3A : i32
    %add3A = arith.addi %mul3A_0, %arg0 : i32
    %mul3A_1 = arith.constant 512 : i32
    %mul3A_2 = arith.muli %add3A, %mul3A_1 : i32
    %iota3A = tpu.iota {dimensions = array<i32: 0>} : vector<16xi32>
    %ge3A = arith.constant 6 : i32
    %ge3A_3 = vector.broadcast %ge3A : i32 to vector<16xi32>
    %ge3A_4 = arith.cmpi sge, %iota3A, %ge3A_3 : vector<16xi32>
    %convert_element_type3A = arith.extui %ge3A_4 : vector<16xi1> to vector<16xi32>
    %convert_element_type3A_5 = arith.sitofp %convert_element_type3A : vector<16xi32> to vector<16xf32>
    %scan3A = arith.constant 0 : i32
    %scan3A_6 = arith.constant 0 : i32
    %scan3A_7 = arith.constant 4 : i32
    %scan3A_8 = arith.addi %scan3A_6, %scan3A_7 : i32
    %scan3A_9 = arith.constant 1 : i32
    scf.for %scan3A_11 = %scan3A_6 to %scan3A_8 step %scan3A_9  : i32 {
      %mul3A_12 = arith.constant 128 : i32
      %mul3A_13 = arith.muli %scan3A_11, %mul3A_12 : i32
      %add3A_14 = arith.addi %mul3A_2, %mul3A_13 : i32
      %multiple_of3A = tpu.assume_multiple %add3A_14, 128 : i32
      "tpu.region"() ({
        %run_scoped3A = tpu.sem_alloc : memref<!tpu.dma_semaphore, #tpu.memory_space<semaphore_mem>>
        %dma_start3A_37 = arith.constant 0 : i32
        %dma_start3A_38 = tpu.memref_slice %arg2[%multiple_of3A, %dma_start3A_37] : memref<16384x26xi32, #tpu.memory_space<hbm>> -> memref<128x26xi32, #tpu.memory_space<hbm>>
        %dma_start3A_39 = arith.constant 0 : i32
        %dma_start3A_40 = tpu.memref_slice %arg2[%multiple_of3A, %dma_start3A_39] : memref<16384x26xi32, #tpu.memory_space<hbm>> -> memref<128x26xi32, #tpu.memory_space<hbm>>
        tpu.enqueue_dma source(%dma_start3A_40 : memref<128x26xi32, #tpu.memory_space<hbm>>) target(%arg7 : memref<128x26xi32, #tpu.memory_space<vmem>>) target_semaphore(%run_scoped3A : memref<!tpu.dma_semaphore, #tpu.memory_space<semaphore_mem>>)
        %dma_wait3A_41 = arith.constant 0 : i32
        %dma_wait3A_42 = tpu.memref_slice %arg2[%multiple_of3A, %dma_wait3A_41] : memref<16384x26xi32, #tpu.memory_space<hbm>> -> memref<128x26xi32, #tpu.memory_space<hbm>>
        %dma_wait3A_43 = arith.constant 0 : i32
        %dma_wait3A_44 = tpu.memref_slice %arg2[%multiple_of3A, %dma_wait3A_43] : memref<16384x26xi32, #tpu.memory_space<hbm>> -> memref<128x26xi32, #tpu.memory_space<hbm>>
        tpu.wait_dma2 semaphore(%run_scoped3A : memref<!tpu.dma_semaphore, #tpu.memory_space<semaphore_mem>>) src(%dma_wait3A_44 : memref<128x26xi32, #tpu.memory_space<hbm>>) dst(%arg7 : memref<128x26xi32, #tpu.memory_space<vmem>>)
        tpu.yield
      }) : () -> ()
      "tpu.region"() ({
        %run_scoped3A = tpu.sem_alloc : memref<!tpu.dma_semaphore, #tpu.memory_space<semaphore_mem>>
        %dma_start3A_37 = arith.constant 0 : i32
        %dma_start3A_38 = tpu.memref_slice %arg3[%multiple_of3A, %dma_start3A_37] : memref<16384x26xf32, #tpu.memory_space<hbm>> -> memref<128x26xf32, #tpu.memory_space<hbm>>
        %dma_start3A_39 = arith.constant 0 : i32
        %dma_start3A_40 = tpu.memref_slice %arg3[%multiple_of3A, %dma_start3A_39] : memref<16384x26xf32, #tpu.memory_space<hbm>> -> memref<128x26xf32, #tpu.memory_space<hbm>>
        tpu.enqueue_dma source(%dma_start3A_40 : memref<128x26xf32, #tpu.memory_space<hbm>>) target(%arg9 : memref<128x26xf32, #tpu.memory_space<vmem>>) target_semaphore(%run_scoped3A : memref<!tpu.dma_semaphore, #tpu.memory_space<semaphore_mem>>)
        %dma_wait3A_41 = arith.constant 0 : i32
        %dma_wait3A_42 = tpu.memref_slice %arg3[%multiple_of3A, %dma_wait3A_41] : memref<16384x26xf32, #tpu.memory_space<hbm>> -> memref<128x26xf32, #tpu.memory_space<hbm>>
        %dma_wait3A_43 = arith.constant 0 : i32
        %dma_wait3A_44 = tpu.memref_slice %arg3[%multiple_of3A, %dma_wait3A_43] : memref<16384x26xf32, #tpu.memory_space<hbm>> -> memref<128x26xf32, #tpu.memory_space<hbm>>
        tpu.wait_dma2 semaphore(%run_scoped3A : memref<!tpu.dma_semaphore, #tpu.memory_space<semaphore_mem>>) src(%dma_wait3A_44 : memref<128x26xf32, #tpu.memory_space<hbm>>) dst(%arg9 : memref<128x26xf32, #tpu.memory_space<vmem>>)
        tpu.yield
      }) : () -> ()
      %scan3A_15 = arith.constant 0 : i32
      %scan3A_16 = arith.constant 0 : i32
      %scan3A_17 = arith.constant 128 : i32
      %scan3A_18 = arith.addi %scan3A_16, %scan3A_17 : i32
      %scan3A_19 = arith.constant 1 : i32
      scf.for %scan3A_37 = %scan3A_16 to %scan3A_18 step %scan3A_19  : i32 {
        %get3A = arith.index_cast %scan3A_37 : i32 to index
        %get3A_38 = arith.constant 0 : index
        %get3A_39 = tpu.vector_load %arg7[%get3A, %get3A_38] {strides = array<i32>} : memref<128x26xi32, #tpu.memory_space<vmem>>, vector<16xi32>,
        %mul3A_40 = arith.constant 26 : i32
        %mul3A_41 = arith.muli %scan3A_37, %mul3A_40 : i32
        %swap3A = arith.index_cast %mul3A_41 : i32 to index
        %swap3A_42 = tpu.vector_load %arg8[%swap3A] {strides = array<i32>} : memref<3328xi32, #tpu.memory_space<vmem>>, vector<16xi32>,
        tpu.vector_store %arg8[%swap3A], %get3A_39 {strides = array<i32>} : memref<3328xi32, #tpu.memory_space<vmem>>, vector<16xi32>,
        %get3A_43 = arith.index_cast %scan3A_37 : i32 to index
        %get3A_44 = arith.constant 10 : index
        %get3A_45 = tpu.vector_load %arg7[%get3A_43, %get3A_44] {strides = array<i32>} : memref<128x26xi32, #tpu.memory_space<vmem>>, vector<16xi32>,
        %mul3A_46 = arith.constant 26 : i32
        %mul3A_47 = arith.muli %scan3A_37, %mul3A_46 : i32
        %add3A_48 = arith.constant 26 : i32
        %add3A_49 = arith.addi %mul3A_47, %add3A_48 : i32
        %sub3A = arith.constant 16 : i32
        %sub3A_50 = arith.subi %add3A_49, %sub3A : i32
        %swap3A_51 = arith.index_cast %sub3A_50 : i32 to index
        %swap3A_52 = tpu.vector_load %arg8[%swap3A_51] {strides = array<i32>} : memref<3328xi32, #tpu.memory_space<vmem>>, vector<16xi32>,
        tpu.vector_store %arg8[%swap3A_51], %get3A_45 {strides = array<i32>} : memref<3328xi32, #tpu.memory_space<vmem>>, vector<16xi32>,
      }
      %scan3A_20 = arith.constant 128 : i32
      %dma_start3A = arith.constant 0 : i32
      %dma_start3A_21 = arith.constant 0 : i32
      %dma_start3A_22 = tpu.memref_slice %arg4[%dma_start3A, %dma_start3A_21] : memref<1000000x16xf32, #tpu.memory_space<hbm>> -> memref<1000000x16xf32, #tpu.memory_space<hbm>>
      tpu.enqueue_indirect_dma source(%dma_start3A_22 : memref<1000000x16xf32, #tpu.memory_space<hbm>>) target(%arg10 : memref<3328x16xf32, #tpu.memory_space<vmem>>) offsets(%arg8 : memref<3328xi32, #tpu.memory_space<vmem>>) semaphore(%arg13 : memref<!tpu.dma_semaphore, #tpu.memory_space<semaphore_mem>>)
      %dma_start3A_23 = arith.constant 0 : i32
      %dma_start3A_24 = tpu.memref_slice %arg5[%dma_start3A_23] : memref<1000000xf32, #tpu.memory_space<hbm>> -> memref<1000000xf32, #tpu.memory_space<hbm>>
      tpu.enqueue_indirect_dma source(%dma_start3A_24 : memref<1000000xf32, #tpu.memory_space<hbm>>) target(%arg11 : memref<3328xf32, #tpu.memory_space<vmem>>) offsets(%arg8 : memref<3328xi32, #tpu.memory_space<vmem>>) semaphore(%arg13 : memref<!tpu.dma_semaphore, #tpu.memory_space<semaphore_mem>>)
      %dma_wait3A = arith.constant 0 : i32
      %dma_wait3A_25 = arith.constant 0 : i32
      %dma_wait3A_26 = tpu.memref_slice %arg4[%dma_wait3A, %dma_wait3A_25] : memref<1000000x16xf32, #tpu.memory_space<hbm>> -> memref<1000000x16xf32, #tpu.memory_space<hbm>>
      tpu.wait_indirect_dma semaphore(%arg13 : memref<!tpu.dma_semaphore, #tpu.memory_space<semaphore_mem>>) src(%dma_wait3A_26 : memref<1000000x16xf32, #tpu.memory_space<hbm>>) dst(%arg10 : memref<3328x16xf32, #tpu.memory_space<vmem>>)
      %dma_wait3A_27 = arith.constant 0 : i32
      %dma_wait3A_28 = tpu.memref_slice %arg5[%dma_wait3A_27] : memref<1000000xf32, #tpu.memory_space<hbm>> -> memref<1000000xf32, #tpu.memory_space<hbm>>
      tpu.wait_indirect_dma semaphore(%arg13 : memref<!tpu.dma_semaphore, #tpu.memory_space<semaphore_mem>>) src(%dma_wait3A_28 : memref<1000000xf32, #tpu.memory_space<hbm>>) dst(%arg11 : memref<3328xf32, #tpu.memory_space<vmem>>)
      %scan3A_29 = arith.constant 0 : i32
      %scan3A_30 = arith.constant 0 : i32
      %scan3A_31 = arith.constant 128 : i32
      %scan3A_32 = arith.addi %scan3A_30, %scan3A_31 : i32
      %scan3A_33 = arith.constant 1 : i32
      scf.for %scan3A_37 = %scan3A_30 to %scan3A_32 step %scan3A_33  : i32 {
        %get3A = arith.index_cast %scan3A_37 : i32 to index
        %get3A_38 = arith.constant 0 : index
        %get3A_39 = tpu.vector_load %arg9[%get3A, %get3A_38] {strides = array<i32>} : memref<128x26xf32, #tpu.memory_space<vmem>>, vector<16xf32>,
        %get3A_40 = arith.index_cast %scan3A_37 : i32 to index
        %get3A_41 = arith.constant 10 : index
        %get3A_42 = tpu.vector_load %arg9[%get3A_40, %get3A_41] {strides = array<i32>} : memref<128x26xf32, #tpu.memory_space<vmem>>, vector<16xf32>,
        %broadcast_in_dim3A = arith.constant 0.000000e+00 : f32
        %broadcast_in_dim3A_43 = vector.broadcast %broadcast_in_dim3A : f32 to vector<16xf32>
        %broadcast_in_dim3A_44 = arith.constant 0.000000e+00 : f32
        %broadcast_in_dim3A_45 = vector.broadcast %broadcast_in_dim3A_44 : f32 to vector<16xf32>
        %broadcast_in_dim3A_46 = arith.constant 0.000000e+00 : f32
        %broadcast_in_dim3A_47 = vector.broadcast %broadcast_in_dim3A_46 : f32 to vector<16xf32>
        %broadcast_in_dim3A_48 = arith.constant 0.000000e+00 : f32
        %broadcast_in_dim3A_49 = vector.broadcast %broadcast_in_dim3A_48 : f32 to vector<16xf32>
        %broadcast_in_dim3A_50 = arith.constant 0.000000e+00 : f32
        %broadcast_in_dim3A_51 = vector.broadcast %broadcast_in_dim3A_50 : f32 to vector<16xf32>
        %broadcast_in_dim3A_52 = arith.constant 0.000000e+00 : f32
        %broadcast_in_dim3A_53 = vector.broadcast %broadcast_in_dim3A_52 : f32 to vector<16xf32>
        %broadcast_in_dim3A_54 = arith.constant 0.000000e+00 : f32
        %broadcast_in_dim3A_55 = vector.broadcast %broadcast_in_dim3A_54 : f32 to vector<16xf32>
        %broadcast_in_dim3A_56 = arith.constant 0.000000e+00 : f32
        %broadcast_in_dim3A_57 = vector.broadcast %broadcast_in_dim3A_56 : f32 to vector<16xf32>
        %mul3A_58 = arith.constant 26 : i32
        %mul3A_59 = arith.muli %scan3A_37, %mul3A_58 : i32
        %add3A_60 = arith.constant 0 : i32
        %add3A_61 = arith.addi %mul3A_59, %add3A_60 : i32
        %get3A_62 = arith.index_cast %add3A_61 : i32 to index
        %get3A_63 = arith.constant 0 : index
        %get3A_64 = tpu.vector_load %arg10[%get3A_62, %get3A_63] {strides = array<i32>} : memref<3328x16xf32, #tpu.memory_space<vmem>>, vector<16xf32>,
        %broadcast_in_dim3A_65 = arith.constant 0 : i32
        %broadcast_in_dim3A_66 = vector.broadcast %broadcast_in_dim3A_65 : i32 to vector<16x1xi32>
        %gather3A = vector.shape_cast %broadcast_in_dim3A_66 : vector<16x1xi32> to vector<16xi32>
        %gather3A_67 = tpu.dynamic_gather %get3A_39[%gather3A] in [0] : vector<16xf32>, vector<16xi32> -> vector<16xf32>
        %mul3A_68 = arith.mulf %get3A_64, %gather3A_67 : vector<16xf32>
        %add3A_69 = arith.addf %broadcast_in_dim3A_43, %mul3A_68 : vector<16xf32>
        %mul3A_70 = arith.mulf %mul3A_68, %mul3A_68 : vector<16xf32>
        %add3A_71 = arith.addf %broadcast_in_dim3A_51, %mul3A_70 : vector<16xf32>
        %mul3A_72 = arith.constant 26 : i32
        %mul3A_73 = arith.muli %scan3A_37, %mul3A_72 : i32
        %add3A_74 = arith.constant 1 : i32
        %add3A_75 = arith.addi %mul3A_73, %add3A_74 : i32
        %get3A_76 = arith.index_cast %add3A_75 : i32 to index
        %get3A_77 = arith.constant 0 : index
        %get3A_78 = tpu.vector_load %arg10[%get3A_76, %get3A_77] {strides = array<i32>} : memref<3328x16xf32, #tpu.memory_space<vmem>>, vector<16xf32>,
        %broadcast_in_dim3A_79 = arith.constant 1 : i32
        %broadcast_in_dim3A_80 = vector.broadcast %broadcast_in_dim3A_79 : i32 to vector<16x1xi32>
        %gather3A_81 = vector.shape_cast %broadcast_in_dim3A_80 : vector<16x1xi32> to vector<16xi32>
        %gather3A_82 = tpu.dynamic_gather %get3A_39[%gather3A_81] in [0] : vector<16xf32>, vector<16xi32> -> vector<16xf32>
        %mul3A_83 = arith.mulf %get3A_78, %gather3A_82 : vector<16xf32>
        %add3A_84 = arith.addf %broadcast_in_dim3A_45, %mul3A_83 : vector<16xf32>
        %mul3A_85 = arith.mulf %mul3A_83, %mul3A_83 : vector<16xf32>
        %add3A_86 = arith.addf %broadcast_in_dim3A_53, %mul3A_85 : vector<16xf32>
        %mul3A_87 = arith.constant 26 : i32
        %mul3A_88 = arith.muli %scan3A_37, %mul3A_87 : i32
        %add3A_89 = arith.constant 2 : i32
        %add3A_90 = arith.addi %mul3A_88, %add3A_89 : i32
        %get3A_91 = arith.index_cast %add3A_90 : i32 to index
        %get3A_92 = arith.constant 0 : index
        %get3A_93 = tpu.vector_load %arg10[%get3A_91, %get3A_92] {strides = array<i32>} : memref<3328x16xf32, #tpu.memory_space<vmem>>, vector<16xf32>,
        %broadcast_in_dim3A_94 = arith.constant 2 : i32
        %broadcast_in_dim3A_95 = vector.broadcast %broadcast_in_dim3A_94 : i32 to vector<16x1xi32>
        %gather3A_96 = vector.shape_cast %broadcast_in_dim3A_95 : vector<16x1xi32> to vector<16xi32>
        %gather3A_97 = tpu.dynamic_gather %get3A_39[%gather3A_96] in [0] : vector<16xf32>, vector<16xi32> -> vector<16xf32>
        %mul3A_98 = arith.mulf %get3A_93, %gather3A_97 : vector<16xf32>
        %add3A_99 = arith.addf %broadcast_in_dim3A_47, %mul3A_98 : vector<16xf32>
        %mul3A_100 = arith.mulf %mul3A_98, %mul3A_98 : vector<16xf32>
        %add3A_101 = arith.addf %broadcast_in_dim3A_55, %mul3A_100 : vector<16xf32>
        %mul3A_102 = arith.constant 26 : i32
        %mul3A_103 = arith.muli %scan3A_37, %mul3A_102 : i32
        %add3A_104 = arith.constant 3 : i32
        %add3A_105 = arith.addi %mul3A_103, %add3A_104 : i32
        %get3A_106 = arith.index_cast %add3A_105 : i32 to index
        %get3A_107 = arith.constant 0 : index
        %get3A_108 = tpu.vector_load %arg10[%get3A_106, %get3A_107] {strides = array<i32>} : memref<3328x16xf32, #tpu.memory_space<vmem>>, vector<16xf32>,
        %broadcast_in_dim3A_109 = arith.constant 3 : i32
        %broadcast_in_dim3A_110 = vector.broadcast %broadcast_in_dim3A_109 : i32 to vector<16x1xi32>
        %gather3A_111 = vector.shape_cast %broadcast_in_dim3A_110 : vector<16x1xi32> to vector<16xi32>
        %gather3A_112 = tpu.dynamic_gather %get3A_39[%gather3A_111] in [0] : vector<16xf32>, vector<16xi32> -> vector<16xf32>
        %mul3A_113 = arith.mulf %get3A_108, %gather3A_112 : vector<16xf32>
        %add3A_114 = arith.addf %broadcast_in_dim3A_49, %mul3A_113 : vector<16xf32>
        %mul3A_115 = arith.mulf %mul3A_113, %mul3A_113 : vector<16xf32>
        %add3A_116 = arith.addf %broadcast_in_dim3A_57, %mul3A_115 : vector<16xf32>
        %mul3A_117 = arith.constant 26 : i32
        %mul3A_118 = arith.muli %scan3A_37, %mul3A_117 : i32
        %add3A_119 = arith.constant 4 : i32
        %add3A_120 = arith.addi %mul3A_118, %add3A_119 : i32
        %get3A_121 = arith.index_cast %add3A_120 : i32 to index
        %get3A_122 = arith.constant 0 : index
        %get3A_123 = tpu.vector_load %arg10[%get3A_121, %get3A_122] {strides = array<i32>} : memref<3328x16xf32, #tpu.memory_space<vmem>>, vector<16xf32>,
        %broadcast_in_dim3A_124 = arith.constant 4 : i32
        %broadcast_in_dim3A_125 = vector.broadcast %broadcast_in_dim3A_124 : i32 to vector<16x1xi32>
        %gather3A_126 = vector.shape_cast %broadcast_in_dim3A_125 : vector<16x1xi32> to vector<16xi32>
        %gather3A_127 = tpu.dynamic_gather %get3A_39[%gather3A_126] in [0] : vector<16xf32>, vector<16xi32> -> vector<16xf32>
        %mul3A_128 = arith.mulf %get3A_123, %gather3A_127 : vector<16xf32>
        %add3A_129 = arith.addf %add3A_69, %mul3A_128 : vector<16xf32>
        %mul3A_130 = arith.mulf %mul3A_128, %mul3A_128 : vector<16xf32>
        %add3A_131 = arith.addf %add3A_71, %mul3A_130 : vector<16xf32>
        %mul3A_132 = arith.constant 26 : i32
        %mul3A_133 = arith.muli %scan3A_37, %mul3A_132 : i32
        %add3A_134 = arith.constant 5 : i32
        %add3A_135 = arith.addi %mul3A_133, %add3A_134 : i32
        %get3A_136 = arith.index_cast %add3A_135 : i32 to index
        %get3A_137 = arith.constant 0 : index
        %get3A_138 = tpu.vector_load %arg10[%get3A_136, %get3A_137] {strides = array<i32>} : memref<3328x16xf32, #tpu.memory_space<vmem>>, vector<16xf32>,
        %broadcast_in_dim3A_139 = arith.constant 5 : i32
        %broadcast_in_dim3A_140 = vector.broadcast %broadcast_in_dim3A_139 : i32 to vector<16x1xi32>
        %gather3A_141 = vector.shape_cast %broadcast_in_dim3A_140 : vector<16x1xi32> to vector<16xi32>
        %gather3A_142 = tpu.dynamic_gather %get3A_39[%gather3A_141] in [0] : vector<16xf32>, vector<16xi32> -> vector<16xf32>
        %mul3A_143 = arith.mulf %get3A_138, %gather3A_142 : vector<16xf32>
        %add3A_144 = arith.addf %add3A_84, %mul3A_143 : vector<16xf32>
        %mul3A_145 = arith.mulf %mul3A_143, %mul3A_143 : vector<16xf32>
        %add3A_146 = arith.addf %add3A_86, %mul3A_145 : vector<16xf32>
        %mul3A_147 = arith.constant 26 : i32
        %mul3A_148 = arith.muli %scan3A_37, %mul3A_147 : i32
        %add3A_149 = arith.constant 6 : i32
        %add3A_150 = arith.addi %mul3A_148, %add3A_149 : i32
        %get3A_151 = arith.index_cast %add3A_150 : i32 to index
        %get3A_152 = arith.constant 0 : index
        %get3A_153 = tpu.vector_load %arg10[%get3A_151, %get3A_152] {strides = array<i32>} : memref<3328x16xf32, #tpu.memory_space<vmem>>, vector<16xf32>,
        %broadcast_in_dim3A_154 = arith.constant 6 : i32
        %broadcast_in_dim3A_155 = vector.broadcast %broadcast_in_dim3A_154 : i32 to vector<16x1xi32>
        %gather3A_156 = vector.shape_cast %broadcast_in_dim3A_155 : vector<16x1xi32> to vector<16xi32>
        %gather3A_157 = tpu.dynamic_gather %get3A_39[%gather3A_156] in [0] : vector<16xf32>, vector<16xi32> -> vector<16xf32>
        %mul3A_158 = arith.mulf %get3A_153, %gather3A_157 : vector<16xf32>
        %add3A_159 = arith.addf %add3A_99, %mul3A_158 : vector<16xf32>
        %mul3A_160 = arith.mulf %mul3A_158, %mul3A_158 : vector<16xf32>
        %add3A_161 = arith.addf %add3A_101, %mul3A_160 : vector<16xf32>
        %mul3A_162 = arith.constant 26 : i32
        %mul3A_163 = arith.muli %scan3A_37, %mul3A_162 : i32
        %add3A_164 = arith.constant 7 : i32
        %add3A_165 = arith.addi %mul3A_163, %add3A_164 : i32
        %get3A_166 = arith.index_cast %add3A_165 : i32 to index
        %get3A_167 = arith.constant 0 : index
        %get3A_168 = tpu.vector_load %arg10[%get3A_166, %get3A_167] {strides = array<i32>} : memref<3328x16xf32, #tpu.memory_space<vmem>>, vector<16xf32>,
        %broadcast_in_dim3A_169 = arith.constant 7 : i32
        %broadcast_in_dim3A_170 = vector.broadcast %broadcast_in_dim3A_169 : i32 to vector<16x1xi32>
        %gather3A_171 = vector.shape_cast %broadcast_in_dim3A_170 : vector<16x1xi32> to vector<16xi32>
        %gather3A_172 = tpu.dynamic_gather %get3A_39[%gather3A_171] in [0] : vector<16xf32>, vector<16xi32> -> vector<16xf32>
        %mul3A_173 = arith.mulf %get3A_168, %gather3A_172 : vector<16xf32>
        %add3A_174 = arith.addf %add3A_114, %mul3A_173 : vector<16xf32>
        %mul3A_175 = arith.mulf %mul3A_173, %mul3A_173 : vector<16xf32>
        %add3A_176 = arith.addf %add3A_116, %mul3A_175 : vector<16xf32>
        %mul3A_177 = arith.constant 26 : i32
        %mul3A_178 = arith.muli %scan3A_37, %mul3A_177 : i32
        %add3A_179 = arith.constant 8 : i32
        %add3A_180 = arith.addi %mul3A_178, %add3A_179 : i32
        %get3A_181 = arith.index_cast %add3A_180 : i32 to index
        %get3A_182 = arith.constant 0 : index
        %get3A_183 = tpu.vector_load %arg10[%get3A_181, %get3A_182] {strides = array<i32>} : memref<3328x16xf32, #tpu.memory_space<vmem>>, vector<16xf32>,
        %broadcast_in_dim3A_184 = arith.constant 8 : i32
        %broadcast_in_dim3A_185 = vector.broadcast %broadcast_in_dim3A_184 : i32 to vector<16x1xi32>
        %gather3A_186 = vector.shape_cast %broadcast_in_dim3A_185 : vector<16x1xi32> to vector<16xi32>
        %gather3A_187 = tpu.dynamic_gather %get3A_39[%gather3A_186] in [0] : vector<16xf32>, vector<16xi32> -> vector<16xf32>
        %mul3A_188 = arith.mulf %get3A_183, %gather3A_187 : vector<16xf32>
        %add3A_189 = arith.addf %add3A_129, %mul3A_188 : vector<16xf32>
        %mul3A_190 = arith.mulf %mul3A_188, %mul3A_188 : vector<16xf32>
        %add3A_191 = arith.addf %add3A_131, %mul3A_190 : vector<16xf32>
        %mul3A_192 = arith.constant 26 : i32
        %mul3A_193 = arith.muli %scan3A_37, %mul3A_192 : i32
        %add3A_194 = arith.constant 9 : i32
        %add3A_195 = arith.addi %mul3A_193, %add3A_194 : i32
        %get3A_196 = arith.index_cast %add3A_195 : i32 to index
        %get3A_197 = arith.constant 0 : index
        %get3A_198 = tpu.vector_load %arg10[%get3A_196, %get3A_197] {strides = array<i32>} : memref<3328x16xf32, #tpu.memory_space<vmem>>, vector<16xf32>,
        %broadcast_in_dim3A_199 = arith.constant 9 : i32
        %broadcast_in_dim3A_200 = vector.broadcast %broadcast_in_dim3A_199 : i32 to vector<16x1xi32>
        %gather3A_201 = vector.shape_cast %broadcast_in_dim3A_200 : vector<16x1xi32> to vector<16xi32>
        %gather3A_202 = tpu.dynamic_gather %get3A_39[%gather3A_201] in [0] : vector<16xf32>, vector<16xi32> -> vector<16xf32>
        %mul3A_203 = arith.mulf %get3A_198, %gather3A_202 : vector<16xf32>
        %add3A_204 = arith.addf %add3A_144, %mul3A_203 : vector<16xf32>
        %mul3A_205 = arith.mulf %mul3A_203, %mul3A_203 : vector<16xf32>
        %add3A_206 = arith.addf %add3A_146, %mul3A_205 : vector<16xf32>
        %mul3A_207 = arith.constant 26 : i32
        %mul3A_208 = arith.muli %scan3A_37, %mul3A_207 : i32
        %add3A_209 = arith.constant 10 : i32
        %add3A_210 = arith.addi %mul3A_208, %add3A_209 : i32
        %get3A_211 = arith.index_cast %add3A_210 : i32 to index
        %get3A_212 = arith.constant 0 : index
        %get3A_213 = tpu.vector_load %arg10[%get3A_211, %get3A_212] {strides = array<i32>} : memref<3328x16xf32, #tpu.memory_space<vmem>>, vector<16xf32>,
        %broadcast_in_dim3A_214 = arith.constant 10 : i32
        %broadcast_in_dim3A_215 = vector.broadcast %broadcast_in_dim3A_214 : i32 to vector<16x1xi32>
        %gather3A_216 = vector.shape_cast %broadcast_in_dim3A_215 : vector<16x1xi32> to vector<16xi32>
        %gather3A_217 = tpu.dynamic_gather %get3A_39[%gather3A_216] in [0] : vector<16xf32>, vector<16xi32> -> vector<16xf32>
        %mul3A_218 = arith.mulf %get3A_213, %gather3A_217 : vector<16xf32>
        %add3A_219 = arith.addf %add3A_159, %mul3A_218 : vector<16xf32>
        %mul3A_220 = arith.mulf %mul3A_218, %mul3A_218 : vector<16xf32>
        %add3A_221 = arith.addf %add3A_161, %mul3A_220 : vector<16xf32>
        %mul3A_222 = arith.constant 26 : i32
        %mul3A_223 = arith.muli %scan3A_37, %mul3A_222 : i32
        %add3A_224 = arith.constant 11 : i32
        %add3A_225 = arith.addi %mul3A_223, %add3A_224 : i32
        %get3A_226 = arith.index_cast %add3A_225 : i32 to index
        %get3A_227 = arith.constant 0 : index
        %get3A_228 = tpu.vector_load %arg10[%get3A_226, %get3A_227] {strides = array<i32>} : memref<3328x16xf32, #tpu.memory_space<vmem>>, vector<16xf32>,
        %broadcast_in_dim3A_229 = arith.constant 11 : i32
        %broadcast_in_dim3A_230 = vector.broadcast %broadcast_in_dim3A_229 : i32 to vector<16x1xi32>
        %gather3A_231 = vector.shape_cast %broadcast_in_dim3A_230 : vector<16x1xi32> to vector<16xi32>
        %gather3A_232 = tpu.dynamic_gather %get3A_39[%gather3A_231] in [0] : vector<16xf32>, vector<16xi32> -> vector<16xf32>
        %mul3A_233 = arith.mulf %get3A_228, %gather3A_232 : vector<16xf32>
        %add3A_234 = arith.addf %add3A_174, %mul3A_233 : vector<16xf32>
        %mul3A_235 = arith.mulf %mul3A_233, %mul3A_233 : vector<16xf32>
        %add3A_236 = arith.addf %add3A_176, %mul3A_235 : vector<16xf32>
        %mul3A_237 = arith.constant 26 : i32
        %mul3A_238 = arith.muli %scan3A_37, %mul3A_237 : i32
        %add3A_239 = arith.constant 12 : i32
        %add3A_240 = arith.addi %mul3A_238, %add3A_239 : i32
        %get3A_241 = arith.index_cast %add3A_240 : i32 to index
        %get3A_242 = arith.constant 0 : index
        %get3A_243 = tpu.vector_load %arg10[%get3A_241, %get3A_242] {strides = array<i32>} : memref<3328x16xf32, #tpu.memory_space<vmem>>, vector<16xf32>,
        %broadcast_in_dim3A_244 = arith.constant 12 : i32
        %broadcast_in_dim3A_245 = vector.broadcast %broadcast_in_dim3A_244 : i32 to vector<16x1xi32>
        %gather3A_246 = vector.shape_cast %broadcast_in_dim3A_245 : vector<16x1xi32> to vector<16xi32>
        %gather3A_247 = tpu.dynamic_gather %get3A_39[%gather3A_246] in [0] : vector<16xf32>, vector<16xi32> -> vector<16xf32>
        %mul3A_248 = arith.mulf %get3A_243, %gather3A_247 : vector<16xf32>
        %add3A_249 = arith.addf %add3A_189, %mul3A_248 : vector<16xf32>
        %mul3A_250 = arith.mulf %mul3A_248, %mul3A_248 : vector<16xf32>
        %add3A_251 = arith.addf %add3A_191, %mul3A_250 : vector<16xf32>
        %mul3A_252 = arith.constant 26 : i32
        %mul3A_253 = arith.muli %scan3A_37, %mul3A_252 : i32
        %add3A_254 = arith.constant 13 : i32
        %add3A_255 = arith.addi %mul3A_253, %add3A_254 : i32
        %get3A_256 = arith.index_cast %add3A_255 : i32 to index
        %get3A_257 = arith.constant 0 : index
        %get3A_258 = tpu.vector_load %arg10[%get3A_256, %get3A_257] {strides = array<i32>} : memref<3328x16xf32, #tpu.memory_space<vmem>>, vector<16xf32>,
        %broadcast_in_dim3A_259 = arith.constant 13 : i32
        %broadcast_in_dim3A_260 = vector.broadcast %broadcast_in_dim3A_259 : i32 to vector<16x1xi32>
        %gather3A_261 = vector.shape_cast %broadcast_in_dim3A_260 : vector<16x1xi32> to vector<16xi32>
        %gather3A_262 = tpu.dynamic_gather %get3A_39[%gather3A_261] in [0] : vector<16xf32>, vector<16xi32> -> vector<16xf32>
        %mul3A_263 = arith.mulf %get3A_258, %gather3A_262 : vector<16xf32>
        %add3A_264 = arith.addf %add3A_204, %mul3A_263 : vector<16xf32>
        %mul3A_265 = arith.mulf %mul3A_263, %mul3A_263 : vector<16xf32>
        %add3A_266 = arith.addf %add3A_206, %mul3A_265 : vector<16xf32>
        %mul3A_267 = arith.constant 26 : i32
        %mul3A_268 = arith.muli %scan3A_37, %mul3A_267 : i32
        %add3A_269 = arith.constant 14 : i32
        %add3A_270 = arith.addi %mul3A_268, %add3A_269 : i32
        %get3A_271 = arith.index_cast %add3A_270 : i32 to index
        %get3A_272 = arith.constant 0 : index
        %get3A_273 = tpu.vector_load %arg10[%get3A_271, %get3A_272] {strides = array<i32>} : memref<3328x16xf32, #tpu.memory_space<vmem>>, vector<16xf32>,
        %broadcast_in_dim3A_274 = arith.constant 14 : i32
        %broadcast_in_dim3A_275 = vector.broadcast %broadcast_in_dim3A_274 : i32 to vector<16x1xi32>
        %gather3A_276 = vector.shape_cast %broadcast_in_dim3A_275 : vector<16x1xi32> to vector<16xi32>
        %gather3A_277 = tpu.dynamic_gather %get3A_39[%gather3A_276] in [0] : vector<16xf32>, vector<16xi32> -> vector<16xf32>
        %mul3A_278 = arith.mulf %get3A_273, %gather3A_277 : vector<16xf32>
        %add3A_279 = arith.addf %add3A_219, %mul3A_278 : vector<16xf32>
        %mul3A_280 = arith.mulf %mul3A_278, %mul3A_278 : vector<16xf32>
        %add3A_281 = arith.addf %add3A_221, %mul3A_280 : vector<16xf32>
        %mul3A_282 = arith.constant 26 : i32
        %mul3A_283 = arith.muli %scan3A_37, %mul3A_282 : i32
        %add3A_284 = arith.constant 15 : i32
        %add3A_285 = arith.addi %mul3A_283, %add3A_284 : i32
        %get3A_286 = arith.index_cast %add3A_285 : i32 to index
        %get3A_287 = arith.constant 0 : index
        %get3A_288 = tpu.vector_load %arg10[%get3A_286, %get3A_287] {strides = array<i32>} : memref<3328x16xf32, #tpu.memory_space<vmem>>, vector<16xf32>,
        %broadcast_in_dim3A_289 = arith.constant 15 : i32
        %broadcast_in_dim3A_290 = vector.broadcast %broadcast_in_dim3A_289 : i32 to vector<16x1xi32>
        %gather3A_291 = vector.shape_cast %broadcast_in_dim3A_290 : vector<16x1xi32> to vector<16xi32>
        %gather3A_292 = tpu.dynamic_gather %get3A_39[%gather3A_291] in [0] : vector<16xf32>, vector<16xi32> -> vector<16xf32>
        %mul3A_293 = arith.mulf %get3A_288, %gather3A_292 : vector<16xf32>
        %add3A_294 = arith.addf %add3A_234, %mul3A_293 : vector<16xf32>
        %mul3A_295 = arith.mulf %mul3A_293, %mul3A_293 : vector<16xf32>
        %add3A_296 = arith.addf %add3A_236, %mul3A_295 : vector<16xf32>
        %mul3A_297 = arith.constant 26 : i32
        %mul3A_298 = arith.muli %scan3A_37, %mul3A_297 : i32
        %add3A_299 = arith.constant 16 : i32
        %add3A_300 = arith.addi %mul3A_298, %add3A_299 : i32
        %get3A_301 = arith.index_cast %add3A_300 : i32 to index
        %get3A_302 = arith.constant 0 : index
        %get3A_303 = tpu.vector_load %arg10[%get3A_301, %get3A_302] {strides = array<i32>} : memref<3328x16xf32, #tpu.memory_space<vmem>>, vector<16xf32>,
        %broadcast_in_dim3A_304 = arith.constant 6 : i32
        %broadcast_in_dim3A_305 = vector.broadcast %broadcast_in_dim3A_304 : i32 to vector<16x1xi32>
        %gather3A_306 = vector.shape_cast %broadcast_in_dim3A_305 : vector<16x1xi32> to vector<16xi32>
        %gather3A_307 = tpu.dynamic_gather %get3A_42[%gather3A_306] in [0] : vector<16xf32>, vector<16xi32> -> vector<16xf32>
        %mul3A_308 = arith.mulf %get3A_303, %gather3A_307 : vector<16xf32>
        %add3A_309 = arith.addf %add3A_249, %mul3A_308 : vector<16xf32>
        %mul3A_310 = arith.mulf %mul3A_308, %mul3A_308 : vector<16xf32>
        %add3A_311 = arith.addf %add3A_251, %mul3A_310 : vector<16xf32>
        %mul3A_312 = arith.constant 26 : i32
        %mul3A_313 = arith.muli %scan3A_37, %mul3A_312 : i32
        %add3A_314 = arith.constant 17 : i32
        %add3A_315 = arith.addi %mul3A_313, %add3A_314 : i32
        %get3A_316 = arith.index_cast %add3A_315 : i32 to index
        %get3A_317 = arith.constant 0 : index
        %get3A_318 = tpu.vector_load %arg10[%get3A_316, %get3A_317] {strides = array<i32>} : memref<3328x16xf32, #tpu.memory_space<vmem>>, vector<16xf32>,
        %broadcast_in_dim3A_319 = arith.constant 7 : i32
        %broadcast_in_dim3A_320 = vector.broadcast %broadcast_in_dim3A_319 : i32 to vector<16x1xi32>
        %gather3A_321 = vector.shape_cast %broadcast_in_dim3A_320 : vector<16x1xi32> to vector<16xi32>
        %gather3A_322 = tpu.dynamic_gather %get3A_42[%gather3A_321] in [0] : vector<16xf32>, vector<16xi32> -> vector<16xf32>
        %mul3A_323 = arith.mulf %get3A_318, %gather3A_322 : vector<16xf32>
        %add3A_324 = arith.addf %add3A_264, %mul3A_323 : vector<16xf32>
        %mul3A_325 = arith.mulf %mul3A_323, %mul3A_323 : vector<16xf32>
        %add3A_326 = arith.addf %add3A_266, %mul3A_325 : vector<16xf32>
        %mul3A_327 = arith.constant 26 : i32
        %mul3A_328 = arith.muli %scan3A_37, %mul3A_327 : i32
        %add3A_329 = arith.constant 18 : i32
        %add3A_330 = arith.addi %mul3A_328, %add3A_329 : i32
        %get3A_331 = arith.index_cast %add3A_330 : i32 to index
        %get3A_332 = arith.constant 0 : index
        %get3A_333 = tpu.vector_load %arg10[%get3A_331, %get3A_332] {strides = array<i32>} : memref<3328x16xf32, #tpu.memory_space<vmem>>, vector<16xf32>,
        %broadcast_in_dim3A_334 = arith.constant 8 : i32
        %broadcast_in_dim3A_335 = vector.broadcast %broadcast_in_dim3A_334 : i32 to vector<16x1xi32>
        %gather3A_336 = vector.shape_cast %broadcast_in_dim3A_335 : vector<16x1xi32> to vector<16xi32>
        %gather3A_337 = tpu.dynamic_gather %get3A_42[%gather3A_336] in [0] : vector<16xf32>, vector<16xi32> -> vector<16xf32>
        %mul3A_338 = arith.mulf %get3A_333, %gather3A_337 : vector<16xf32>
        %add3A_339 = arith.addf %add3A_279, %mul3A_338 : vector<16xf32>
        %mul3A_340 = arith.mulf %mul3A_338, %mul3A_338 : vector<16xf32>
        %add3A_341 = arith.addf %add3A_281, %mul3A_340 : vector<16xf32>
        %mul3A_342 = arith.constant 26 : i32
        %mul3A_343 = arith.muli %scan3A_37, %mul3A_342 : i32
        %add3A_344 = arith.constant 19 : i32
        %add3A_345 = arith.addi %mul3A_343, %add3A_344 : i32
        %get3A_346 = arith.index_cast %add3A_345 : i32 to index
        %get3A_347 = arith.constant 0 : index
        %get3A_348 = tpu.vector_load %arg10[%get3A_346, %get3A_347] {strides = array<i32>} : memref<3328x16xf32, #tpu.memory_space<vmem>>, vector<16xf32>,
        %broadcast_in_dim3A_349 = arith.constant 9 : i32
        %broadcast_in_dim3A_350 = vector.broadcast %broadcast_in_dim3A_349 : i32 to vector<16x1xi32>
        %gather3A_351 = vector.shape_cast %broadcast_in_dim3A_350 : vector<16x1xi32> to vector<16xi32>
        %gather3A_352 = tpu.dynamic_gather %get3A_42[%gather3A_351] in [0] : vector<16xf32>, vector<16xi32> -> vector<16xf32>
        %mul3A_353 = arith.mulf %get3A_348, %gather3A_352 : vector<16xf32>
        %add3A_354 = arith.addf %add3A_294, %mul3A_353 : vector<16xf32>
        %mul3A_355 = arith.mulf %mul3A_353, %mul3A_353 : vector<16xf32>
        %add3A_356 = arith.addf %add3A_296, %mul3A_355 : vector<16xf32>
        %mul3A_357 = arith.constant 26 : i32
        %mul3A_358 = arith.muli %scan3A_37, %mul3A_357 : i32
        %add3A_359 = arith.constant 20 : i32
        %add3A_360 = arith.addi %mul3A_358, %add3A_359 : i32
        %get3A_361 = arith.index_cast %add3A_360 : i32 to index
        %get3A_362 = arith.constant 0 : index
        %get3A_363 = tpu.vector_load %arg10[%get3A_361, %get3A_362] {strides = array<i32>} : memref<3328x16xf32, #tpu.memory_space<vmem>>, vector<16xf32>,
        %broadcast_in_dim3A_364 = arith.constant 10 : i32
        %broadcast_in_dim3A_365 = vector.broadcast %broadcast_in_dim3A_364 : i32 to vector<16x1xi32>
        %gather3A_366 = vector.shape_cast %broadcast_in_dim3A_365 : vector<16x1xi32> to vector<16xi32>
        %gather3A_367 = tpu.dynamic_gather %get3A_42[%gather3A_366] in [0] : vector<16xf32>, vector<16xi32> -> vector<16xf32>
        %mul3A_368 = arith.mulf %get3A_363, %gather3A_367 : vector<16xf32>
        %add3A_369 = arith.addf %add3A_309, %mul3A_368 : vector<16xf32>
        %mul3A_370 = arith.mulf %mul3A_368, %mul3A_368 : vector<16xf32>
        %add3A_371 = arith.addf %add3A_311, %mul3A_370 : vector<16xf32>
        %mul3A_372 = arith.constant 26 : i32
        %mul3A_373 = arith.muli %scan3A_37, %mul3A_372 : i32
        %add3A_374 = arith.constant 21 : i32
        %add3A_375 = arith.addi %mul3A_373, %add3A_374 : i32
        %get3A_376 = arith.index_cast %add3A_375 : i32 to index
        %get3A_377 = arith.constant 0 : index
        %get3A_378 = tpu.vector_load %arg10[%get3A_376, %get3A_377] {strides = array<i32>} : memref<3328x16xf32, #tpu.memory_space<vmem>>, vector<16xf32>,
        %broadcast_in_dim3A_379 = arith.constant 11 : i32
        %broadcast_in_dim3A_380 = vector.broadcast %broadcast_in_dim3A_379 : i32 to vector<16x1xi32>
        %gather3A_381 = vector.shape_cast %broadcast_in_dim3A_380 : vector<16x1xi32> to vector<16xi32>
        %gather3A_382 = tpu.dynamic_gather %get3A_42[%gather3A_381] in [0] : vector<16xf32>, vector<16xi32> -> vector<16xf32>
        %mul3A_383 = arith.mulf %get3A_378, %gather3A_382 : vector<16xf32>
        %add3A_384 = arith.addf %add3A_324, %mul3A_383 : vector<16xf32>
        %mul3A_385 = arith.mulf %mul3A_383, %mul3A_383 : vector<16xf32>
        %add3A_386 = arith.addf %add3A_326, %mul3A_385 : vector<16xf32>
        %mul3A_387 = arith.constant 26 : i32
        %mul3A_388 = arith.muli %scan3A_37, %mul3A_387 : i32
        %add3A_389 = arith.constant 22 : i32
        %add3A_390 = arith.addi %mul3A_388, %add3A_389 : i32
        %get3A_391 = arith.index_cast %add3A_390 : i32 to index
        %get3A_392 = arith.constant 0 : index
        %get3A_393 = tpu.vector_load %arg10[%get3A_391, %get3A_392] {strides = array<i32>} : memref<3328x16xf32, #tpu.memory_space<vmem>>, vector<16xf32>,
        %broadcast_in_dim3A_394 = arith.constant 12 : i32
        %broadcast_in_dim3A_395 = vector.broadcast %broadcast_in_dim3A_394 : i32 to vector<16x1xi32>
        %gather3A_396 = vector.shape_cast %broadcast_in_dim3A_395 : vector<16x1xi32> to vector<16xi32>
        %gather3A_397 = tpu.dynamic_gather %get3A_42[%gather3A_396] in [0] : vector<16xf32>, vector<16xi32> -> vector<16xf32>
        %mul3A_398 = arith.mulf %get3A_393, %gather3A_397 : vector<16xf32>
        %add3A_399 = arith.addf %add3A_339, %mul3A_398 : vector<16xf32>
        %mul3A_400 = arith.mulf %mul3A_398, %mul3A_398 : vector<16xf32>
        %add3A_401 = arith.addf %add3A_341, %mul3A_400 : vector<16xf32>
        %mul3A_402 = arith.constant 26 : i32
        %mul3A_403 = arith.muli %scan3A_37, %mul3A_402 : i32
        %add3A_404 = arith.constant 23 : i32
        %add3A_405 = arith.addi %mul3A_403, %add3A_404 : i32
        %get3A_406 = arith.index_cast %add3A_405 : i32 to index
        %get3A_407 = arith.constant 0 : index
        %get3A_408 = tpu.vector_load %arg10[%get3A_406, %get3A_407] {strides = array<i32>} : memref<3328x16xf32, #tpu.memory_space<vmem>>, vector<16xf32>,
        %broadcast_in_dim3A_409 = arith.constant 13 : i32
        %broadcast_in_dim3A_410 = vector.broadcast %broadcast_in_dim3A_409 : i32 to vector<16x1xi32>
        %gather3A_411 = vector.shape_cast %broadcast_in_dim3A_410 : vector<16x1xi32> to vector<16xi32>
        %gather3A_412 = tpu.dynamic_gather %get3A_42[%gather3A_411] in [0] : vector<16xf32>, vector<16xi32> -> vector<16xf32>
        %mul3A_413 = arith.mulf %get3A_408, %gather3A_412 : vector<16xf32>
        %add3A_414 = arith.addf %add3A_354, %mul3A_413 : vector<16xf32>
        %mul3A_415 = arith.mulf %mul3A_413, %mul3A_413 : vector<16xf32>
        %add3A_416 = arith.addf %add3A_356, %mul3A_415 : vector<16xf32>
        %mul3A_417 = arith.constant 26 : i32
        %mul3A_418 = arith.muli %scan3A_37, %mul3A_417 : i32
        %add3A_419 = arith.constant 24 : i32
        %add3A_420 = arith.addi %mul3A_418, %add3A_419 : i32
        %get3A_421 = arith.index_cast %add3A_420 : i32 to index
        %get3A_422 = arith.constant 0 : index
        %get3A_423 = tpu.vector_load %arg10[%get3A_421, %get3A_422] {strides = array<i32>} : memref<3328x16xf32, #tpu.memory_space<vmem>>, vector<16xf32>,
        %broadcast_in_dim3A_424 = arith.constant 14 : i32
        %broadcast_in_dim3A_425 = vector.broadcast %broadcast_in_dim3A_424 : i32 to vector<16x1xi32>
        %gather3A_426 = vector.shape_cast %broadcast_in_dim3A_425 : vector<16x1xi32> to vector<16xi32>
        %gather3A_427 = tpu.dynamic_gather %get3A_42[%gather3A_426] in [0] : vector<16xf32>, vector<16xi32> -> vector<16xf32>
        %mul3A_428 = arith.mulf %get3A_423, %gather3A_427 : vector<16xf32>
        %add3A_429 = arith.addf %add3A_369, %mul3A_428 : vector<16xf32>
        %mul3A_430 = arith.mulf %mul3A_428, %mul3A_428 : vector<16xf32>
        %add3A_431 = arith.addf %add3A_371, %mul3A_430 : vector<16xf32>
        %mul3A_432 = arith.constant 26 : i32
        %mul3A_433 = arith.muli %scan3A_37, %mul3A_432 : i32
        %add3A_434 = arith.constant 25 : i32
        %add3A_435 = arith.addi %mul3A_433, %add3A_434 : i32
        %get3A_436 = arith.index_cast %add3A_435 : i32 to index
        %get3A_437 = arith.constant 0 : index
        %get3A_438 = tpu.vector_load %arg10[%get3A_436, %get3A_437] {strides = array<i32>} : memref<3328x16xf32, #tpu.memory_space<vmem>>, vector<16xf32>,
        %broadcast_in_dim3A_439 = arith.constant 15 : i32
        %broadcast_in_dim3A_440 = vector.broadcast %broadcast_in_dim3A_439 : i32 to vector<16x1xi32>
        %gather3A_441 = vector.shape_cast %broadcast_in_dim3A_440 : vector<16x1xi32> to vector<16xi32>
        %gather3A_442 = tpu.dynamic_gather %get3A_42[%gather3A_441] in [0] : vector<16xf32>, vector<16xi32> -> vector<16xf32>
        %mul3A_443 = arith.mulf %get3A_438, %gather3A_442 : vector<16xf32>
        %add3A_444 = arith.addf %add3A_384, %mul3A_443 : vector<16xf32>
        %mul3A_445 = arith.mulf %mul3A_443, %mul3A_443 : vector<16xf32>
        %add3A_446 = arith.addf %add3A_386, %mul3A_445 : vector<16xf32>
        %add3A_447 = arith.addf %add3A_429, %add3A_444 : vector<16xf32>
        %add3A_448 = arith.addf %add3A_399, %add3A_414 : vector<16xf32>
        %add3A_449 = arith.addf %add3A_447, %add3A_448 : vector<16xf32>
        %add3A_450 = arith.addf %add3A_431, %add3A_446 : vector<16xf32>
        %add3A_451 = arith.addf %add3A_401, %add3A_416 : vector<16xf32>
        %add3A_452 = arith.addf %add3A_450, %add3A_451 : vector<16xf32>
        %mul3A_453 = arith.constant 26 : i32
        %mul3A_454 = arith.muli %scan3A_37, %mul3A_453 : i32
        %get3A_455 = arith.index_cast %mul3A_454 : i32 to index
        %get3A_456 = tpu.vector_load %arg11[%get3A_455] {strides = array<i32>} : memref<3328xf32, #tpu.memory_space<vmem>>, vector<16xf32>,
        %mul3A_457 = arith.constant 26 : i32
        %mul3A_458 = arith.muli %scan3A_37, %mul3A_457 : i32
        %add3A_459 = arith.constant 26 : i32
        %add3A_460 = arith.addi %mul3A_458, %add3A_459 : i32
        %sub3A = arith.constant 16 : i32
        %sub3A_461 = arith.subi %add3A_460, %sub3A : i32
        %get3A_462 = arith.index_cast %sub3A_461 : i32 to index
        %get3A_463 = tpu.vector_load %arg11[%get3A_462] {strides = array<i32>} : memref<3328xf32, #tpu.memory_space<vmem>>, vector<16xf32>,
        %mul3A_464 = arith.mulf %add3A_449, %add3A_449 : vector<16xf32>
        %sub3A_465 = arith.subf %mul3A_464, %add3A_452 : vector<16xf32>
        %mul3A_466 = arith.constant 5.000000e-01 : f32
        %mul3A_467 = vector.broadcast %mul3A_466 : f32 to vector<16xf32>
        %mul3A_468 = arith.mulf %mul3A_467, %sub3A_465 : vector<16xf32>
        %mul3A_469 = arith.mulf %get3A_39, %get3A_456 : vector<16xf32>
        %add3A_470 = arith.addf %mul3A_468, %mul3A_469 : vector<16xf32>
        %mul3A_471 = arith.mulf %get3A_42, %get3A_463 : vector<16xf32>
        %mul3A_472 = arith.mulf %convert_element_type3A_5, %mul3A_471 : vector<16xf32>
        %add3A_473 = arith.addf %add3A_470, %mul3A_472 : vector<16xf32>
        %mul3A_474 = arith.constant 16 : i32
        %mul3A_475 = arith.muli %scan3A_37, %mul3A_474 : i32
        %swap3A = arith.index_cast %mul3A_475 : i32 to index
        %swap3A_476 = tpu.vector_load %arg12[%swap3A] {strides = array<i32>} : memref<2048xf32, #tpu.memory_space<vmem>>, vector<16xf32>,
        tpu.vector_store %arg12[%swap3A], %add3A_473 {strides = array<i32>} : memref<2048xf32, #tpu.memory_space<vmem>>, vector<16xf32>,
      }
      %scan3A_34 = arith.constant 128 : i32
      %mul3A_35 = arith.constant 16 : i32
      %mul3A_36 = arith.muli %multiple_of3A, %mul3A_35 : i32
      "tpu.region"() ({
        %run_scoped3A = tpu.sem_alloc : memref<!tpu.dma_semaphore, #tpu.memory_space<semaphore_mem>>
        %dma_start3A_37 = tpu.memref_slice %arg6[%mul3A_36] : memref<262144xf32, #tpu.memory_space<hbm>> -> memref<2048xf32, #tpu.memory_space<hbm>>
        %dma_start3A_38 = tpu.memref_slice %arg6[%mul3A_36] : memref<262144xf32, #tpu.memory_space<hbm>> -> memref<2048xf32, #tpu.memory_space<hbm>>
        tpu.enqueue_dma source(%arg12 : memref<2048xf32, #tpu.memory_space<vmem>>) target(%dma_start3A_38 : memref<2048xf32, #tpu.memory_space<hbm>>) target_semaphore(%run_scoped3A : memref<!tpu.dma_semaphore, #tpu.memory_space<semaphore_mem>>)
        %dma_wait3A_39 = tpu.memref_slice %arg6[%mul3A_36] : memref<262144xf32, #tpu.memory_space<hbm>> -> memref<2048xf32, #tpu.memory_space<hbm>>
        %dma_wait3A_40 = tpu.memref_slice %arg6[%mul3A_36] : memref<262144xf32, #tpu.memory_space<hbm>> -> memref<2048xf32, #tpu.memory_space<hbm>>
        tpu.wait_dma2 semaphore(%run_scoped3A : memref<!tpu.dma_semaphore, #tpu.memory_space<semaphore_mem>>) src(%arg12 : memref<2048xf32, #tpu.memory_space<vmem>>) dst(%dma_wait3A_40 : memref<2048xf32, #tpu.memory_space<hbm>>)
        tpu.yield
      }) : () -> ()
    }
    %scan3A_10 = arith.constant 4 : i32
    return
  }
}

#map = affine_map<(d0, d1) -> (0, 0)>
#map1 = affine_map<(d0, d1) -> (0)>
module attributes {stable_mosaic.version = 14 : i64} {
  func.func @wcopy(%arg0: i32, %arg1: i32, %arg2: memref<1x1000000xf32, #tpu.memory_space<hbm>>, %arg3: memref<1000000xf32, #tpu.memory_space<hbm>>) attributes {dimension_semantics = [#tpu.dimension_semantics<core_parallel>, #tpu.dimension_semantics<subcore_parallel>], iteration_bounds = array<i64: 2, 16>, scalar_prefetch = 0 : i64, scratch_operands = 0 : i64, tpu.core_type = #tpu.core_type<sc_vector_subcore>, window_params = [{transform_indices = #map}, {transform_indices = #map1}]} {
    %mul3A = arith.constant 2 : i32
    %mul3A_0 = arith.muli %arg1, %mul3A : i32
    %add3A = arith.addi %mul3A_0, %arg0 : i32
    %lt3A = arith.constant 8 : i32
    %lt3A_1 = arith.cmpi slt, %add3A, %lt3A : i32
    %convert_element_type3A = arith.extui %lt3A_1 : i1 to i32
    %cond3A = arith.constant 0 : i32
    %cond3A_2 = arith.cmpi ne, %convert_element_type3A, %cond3A : i32
    scf.if %cond3A_2 {
      %mul3A_3 = arith.constant 125000 : i32
      %mul3A_4 = arith.muli %add3A, %mul3A_3 : i32
      %multiple_of3A = tpu.assume_multiple %mul3A_4, 125000 : i32
      %run_scoped3A = arith.constant 0 : i32
      "tpu.region"() ({
        %run_scoped3A_5 = tpu.sem_alloc : memref<!tpu.dma_semaphore, #tpu.memory_space<semaphore_mem>>
        %dma_start3A = tpu.memref_slice %arg3[%multiple_of3A] : memref<1000000xf32, #tpu.memory_space<hbm>> -> memref<125000xf32, #tpu.memory_space<hbm>>
        %dma_start3A_6 = tpu.memref_slice %arg2[%run_scoped3A, %multiple_of3A] : memref<1x1000000xf32, #tpu.memory_space<hbm>> -> memref<1x125000xf32, #tpu.memory_space<hbm>>
        %dma_start3A_7 = tpu.memref_squeeze %dma_start3A_6 : memref<1x125000xf32, #tpu.memory_space<hbm>> -> memref<125000xf32, #tpu.memory_space<hbm>>
        tpu.enqueue_dma source(%dma_start3A_7 : memref<125000xf32, #tpu.memory_space<hbm>>) target(%dma_start3A : memref<125000xf32, #tpu.memory_space<hbm>>) target_semaphore(%run_scoped3A_5 : memref<!tpu.dma_semaphore, #tpu.memory_space<semaphore_mem>>)
        %dma_wait3A = tpu.memref_slice %arg3[%multiple_of3A] : memref<1000000xf32, #tpu.memory_space<hbm>> -> memref<125000xf32, #tpu.memory_space<hbm>>
        %dma_wait3A_8 = tpu.memref_slice %arg2[%run_scoped3A, %multiple_of3A] : memref<1x1000000xf32, #tpu.memory_space<hbm>> -> memref<1x125000xf32, #tpu.memory_space<hbm>>
        %dma_wait3A_9 = tpu.memref_squeeze %dma_wait3A_8 : memref<1x125000xf32, #tpu.memory_space<hbm>> -> memref<125000xf32, #tpu.memory_space<hbm>>
        tpu.wait_dma2 semaphore(%run_scoped3A_5 : memref<!tpu.dma_semaphore, #tpu.memory_space<semaphore_mem>>) src(%dma_wait3A_9 : memref<125000xf32, #tpu.memory_space<hbm>>) dst(%dma_wait3A : memref<125000xf32, #tpu.memory_space<hbm>>)
        tpu.yield
      }) : () -> ()
    } else {
    }
    return
  }
}

module attributes {stable_mosaic.version = 14 : i64} {
  func.func @_tc_finish(%arg0: i32, %arg1: memref<2048x16xf32, #tpu.memory_space<vmem>>, %arg2: memref<1xf32, #tpu.memory_space<smem>>, %arg3: memref<2048x1xf32, #tpu.memory_space<vmem>>) attributes {dimension_semantics = [#tpu.dimension_semantics<arbitrary>], iteration_bounds = array<i64: 8>, scalar_prefetch = 0 : i64, scratch_operands = 0 : i64, tpu.core_type = #tpu.core_type<tc>, window_params = [{transform_indices = @transform_0, window_bounds = array<i64: 2048, 16>}, {transform_indices = @transform_1, window_bounds = array<i64: 1>}, {transform_indices = @transform_2, window_bounds = array<i64: 2048, 1>}]} {
    %get3A = arith.constant 0 : index
    %get3A_0 = arith.constant 0 : index
    %get3A_1 = vector.load %arg1[%get3A, %get3A_0] : memref<2048x16xf32, #tpu.memory_space<vmem>>, vector<2048x16xf32>
    %reduce_sum3A = arith.constant dense<0.000000e+00> : vector<2048xf32>
    %reduce_sum3A_2 = vector.multi_reduction <add>, %get3A_1, %reduce_sum3A [1] : vector<2048x16xf32> to vector<2048xf32>
    %broadcast_in_dim3A = vector.shape_cast %reduce_sum3A_2 : vector<2048xf32> to vector<2048x1xf32>
    %get3A_3 = arith.constant 0 : index
    %get3A_4 = memref.load %arg2[%get3A_3] : memref<1xf32, #tpu.memory_space<smem>>
    %add3A = vector.broadcast %get3A_4 : f32 to vector<2048x1xf32>
    %add3A_5 = arith.addf %broadcast_in_dim3A, %add3A : vector<2048x1xf32>
    %neg3A = arith.constant 0.000000e+00 : f32
    %neg3A_6 = vector.broadcast %neg3A : f32 to vector<2048x1xf32>
    %neg3A_7 = arith.subf %neg3A_6, %add3A_5 : vector<2048x1xf32>
    %exp3A = math.exp %neg3A_7 : vector<2048x1xf32>
    %add3A_8 = arith.constant 1.000000e+00 : f32
    %add3A_9 = vector.broadcast %add3A_8 : f32 to vector<2048x1xf32>
    %add3A_10 = arith.addf %add3A_9, %exp3A : vector<2048x1xf32>
    %div3A = arith.constant 1.000000e+00 : f32
    %div3A_11 = vector.broadcast %div3A : f32 to vector<2048x1xf32>
    %div3A_12 = arith.divf %div3A_11, %add3A_10 : vector<2048x1xf32>
    %swap3A = arith.constant 0 : index
    %swap3A_13 = arith.constant 0 : index
    %swap3A_14 = vector.load %arg3[%swap3A, %swap3A_13] : memref<2048x1xf32, #tpu.memory_space<vmem>>, vector<2048x1xf32>
    tpu.vector_store %arg3[%swap3A, %swap3A_13], %div3A_12 {strides = array<i32>} : memref<2048x1xf32, #tpu.memory_space<vmem>>, vector<2048x1xf32>,
    return
  }
  func.func @transform_0(%arg0: i32) -> (i32, i32) {
    %c0_i32 = arith.constant 0 : i32
    %c0_i32_0 = arith.constant 0 : i32
    return %arg0, %c0_i32 : i32, i32
  }
  func.func @transform_1(%arg0: i32) -> i32 {
    %c0_i32 = arith.constant 0 : i32
    %c0_i32_0 = arith.constant 0 : i32
    return %c0_i32 : i32
  }
  func.func @transform_2(%arg0: i32) -> (i32, i32) {
    %c0_i32 = arith.constant 0 : i32
    %c0_i32_0 = arith.constant 0 : i32
    return %arg0, %c0_i32 : i32, i32
  }
}

</mosaic_0001>

<sc_bundles>
// kernel: kernel.5.cloned.1.call-start
scs
__scs_entry_jumppad:
0x0: {  	(pc) =	sbr.rel $0x88, $3  }
0x1: {  	(tag) =	ssettag $0x0;
	lr =	simm.s32 $0x1  }
0x2: {  	[smem:$0x3F9C] =	sst lr;
	_ =	strace $0xD0000000  }
0x3: {  	_ = 	snop  }
0x4: {  	_ = 	snop  }
0x5: {  	_ = 	snop  }
0x6: {  	_ = 	snop  }
0x7: {  	_ = 	snop  }
__scs_overlays_trampoline_lowered:
0x8: {  	[smem:$0x3FAB] =	sst s0  }
0x9: {  	[smem:$0x3FAC] =	sst s1  }
0xa: {  	[smem:$0x3FAD] =	sst s2  }
0xb: {  	[smem:$0x3FAE] =	sst s3  }
0xc: {  	[smem:$0x3FAF] =	sst s4  }
0xd: {  	[smem:$0x3FB0] =	sst s5  }
0xe: {  	[smem:$0x3FB1] =	sst s6  }
0xf: {  	[smem:$0x3FB2] =	sst s7  }
0x10: {  	[smem:$0x3FB3] =	sst s8  }
0x11: {  	[smem:$0x3FB4] =	sst s9;
	s0 =	simm.s32 @!p0 $0x0  }
0x12: {  	s1 =	sld [smem:$0x3F9A];
	s0 =	simm.s32 @p0 $0x1  }
0x13: {  	[smem:$0x3FB5] =	sst s0;
	s0 =	simm.s32 @!p1 $0x0  }
0x14: {  	s2 =	sld [smem:$0x3F99];
	s0 =	simm.s32 @p1 $0x1  }
0x15: {  	[smem:$0x3FB6] =	sst s0;
	s0 =	simm.s32 @!p2 $0x0  }
0x16: {  	s3 =	sld [smem:$0x3FDB];
	s0 =	simm.s32 @p2 $0x1  }
0x17: {  	s4 =	simm.s32 $0x1BF5;
	[smem:$0x3FB8] =	sst s0  }
0x18: {  	s0 =	sld [smem:$0x3F9B];
	_ =	swait.ge [sflag:s4], $0x0  }
0x19: {  	s7 =	sld [smem:$0x3F9C]  }
0x1a: {  	s8 =	sadd.s32 $0xFFFFE003, lr  }
0x1b: {  	s9 =	sadd.s32 $0xFFFFFEF7, lr;
	s5 =	simm.s32 $0xFFFFFFFF;
	p2 =	slt.u32 s8, $0xFFFFF086  }
0x1c: {  	p1 =	slt.u32 s9, $0xF7A;
	s5 =	simm.s32 @!p2 $0x0  }
0x1d: {  	s5 =	simm.s32 @p1 $0x1;
	p0 =	seq.s32 s7, s2  }
0x1e: {  	s7 =	smul.u32 @!p0 $0xF7A, s2;
	p2 =	seq.s32 @!p0 s5, $0x0  }
0x1f: {  	s9 =	smul.u32 $0xF7A, s1;
	s8 =	simm.s32 @!p0 $0x1BF5;
	p2 =	por !p2, p0  }
0x20: {  	[sflag:s8] =	ssyncset.s32 @!p0 $0xFFFFF086;
	s6 =	sadd.s32 @!p0 s3, s7;
	s7 =	simm.s32 @!p0 $0x108  }
0x21: {  	s3 =	sadd.s32 s3, s9;
	s6 =	sadd.s32 @!p0 $0x88, s6;
	s7 =	simm.s32 @p2 $0x1082  }
0x22: {  	[simem:s7], [sflag:s8] =	dma.local @!p0 [hbm:s6], $0xF7A  }
0x23: {  	s9 =	sor.u32 $0xD0000000, s2;
	s6 =	simm.s32 $0x108;
	_ =	swait.ge @!p0 [sflag:s8], $0x0  }
0x24: {  	s3 =	sadd.s32 $0x88, s3;
	s6 =	simm.s32 @!p1 $0x1082;
	[sflag:s4] =	ssyncset.s32 $0xFFFFF086  }
0x25: {  	[simem:s6], [sflag:s4] =	dma.local [hbm:s3], $0xF7A  }
0x26: {  	[smem:$0x3F9C] =	sst s1;
	(tag) =	ssettag s2;
	_ =	strace s9  }
0x27: {  	s1 =	sld [smem:$0x3FAC]  }
0x28: {  	s2 =	sld [smem:$0x3FAD]  }
0x29: {  	s4 =	sld [smem:$0x3FAF]  }
0x2a: {  	p0 =	seq.s32 s5, $0x0;
	s5 =	sld [smem:$0x3FB0]  }
0x2b: {  	s6 =	sld [smem:$0x3FB1]  }
0x2c: {  	s7 =	sld [smem:$0x3FB2]  }
0x2d: {  	s3 =	simm.s32 $0x108;
	s8 =	sld [smem:$0x3FB3]  }
0x2e: {  	s3 =	simm.s32 @!p0 $0x1082;
	s9 =	sld [smem:$0x3FB4]  }
0x2f: {  	lr =	sadd.s32 s0, s3;
	s0 =	sld [smem:$0x3FAB]  }
0x30: {  	s3 =	sld [smem:$0x3FAE]  }
0x31: {  	[smem:$0x3FB7] =	sst s10  }
0x32: {  	s10 =	sld [smem:$0x3FB5];
	_ =	sdelay $0x3  }
0x33: {  	p0 =	seq.s32 s10, $0x1;
	s10 =	sld [smem:$0x3FB7];
	_ =	sdelay $0x3  }
0x34: {  	[smem:$0x3FB7] =	sst s10  }
0x35: {  	s10 =	sld [smem:$0x3FB6];
	_ =	sdelay $0x3  }
0x36: {  	p1 =	seq.s32 s10, $0x1;
	s10 =	sld [smem:$0x3FB7];
	_ =	sdelay $0x3  }
0x37: {  	[smem:$0x3FB7] =	sst s10  }
0x38: {  	s10 =	sld [smem:$0x3FB8]  }
0x39: {  	_ = 	snop;
	(pc) =	sbr.ind lr, $3  }
0x3a: {  	_ = 	snop  }
0x3b: {  	_ = 	snop  }
0x3c: {  	p2 =	seq.s32 s10, $0x1;
	s10 =	sld [smem:$0x3FB7]  }
0x3d: {  	_ =	shalt  }
0x3e: {  	_ =	shalt  }
0x3f: {  	_ =	shalt  }
0x40: {  	_ =	shalt  }
0x41: {  	_ =	shalt  }
0x42: {  	_ =	shalt  }
0x43: {  	_ =	shalt  }
0x44: {  	_ =	shalt  }
0x45: {  	_ =	shalt  }
0x46: {  	_ =	shalt  }
0x47: {  	_ =	shalt  }
0x48: {  	_ =	shalt  }
0x49: {  	_ =	shalt  }
0x4a: {  	_ =	shalt  }
0x4b: {  	_ =	shalt  }
0x4c: {  	_ =	shalt  }
0x4d: {  	_ =	shalt  }
0x4e: {  	_ =	shalt  }
0x4f: {  	_ =	shalt  }
0x50: {  	_ =	shalt  }
0x51: {  	_ =	shalt  }
0x52: {  	_ =	shalt  }
0x53: {  	_ =	shalt  }
0x54: {  	_ =	shalt  }
0x55: {  	_ =	shalt  }
0x56: {  	_ =	shalt  }
0x57: {  	_ =	shalt  }
0x58: {  	_ =	shalt  }
0x59: {  	_ =	shalt  }
0x5a: {  	_ =	shalt  }
0x5b: {  	_ =	shalt  }
0x5c: {  	_ =	shalt  }
0x5d: {  	_ =	shalt  }
0x5e: {  	_ =	shalt  }
0x5f: {  	_ =	shalt  }
0x60: {  	_ =	shalt  }
0x61: {  	_ =	shalt  }
0x62: {  	_ =	shalt  }
0x63: {  	_ =	shalt  }
0x64: {  	_ =	shalt  }
0x65: {  	_ =	shalt  }
0x66: {  	_ =	shalt  }
0x67: {  	_ =	shalt  }
0x68: {  	_ =	shalt  }
0x69: {  	_ =	shalt  }
0x6a: {  	_ =	shalt  }
0x6b: {  	_ =	shalt  }
0x6c: {  	_ =	shalt  }
0x6d: {  	_ =	shalt  }
0x6e: {  	_ =	shalt  }
0x6f: {  	_ =	shalt  }
0x70: {  	_ =	shalt  }
0x71: {  	_ =	shalt  }
0x72: {  	_ =	shalt  }
0x73: {  	_ =	shalt  }
0x74: {  	_ =	shalt  }
0x75: {  	_ =	shalt  }
0x76: {  	_ =	shalt  }
0x77: {  	_ =	shalt  }
0x78: {  	_ =	shalt  }
0x79: {  	_ =	shalt  }
0x7a: {  	_ =	shalt  }
0x7b: {  	_ =	shalt  }
0x7c: {  	_ =	shalt  }
0x7d: {  	_ =	shalt  }
0x7e: {  	_ =	shalt  }
0x7f: {  	_ =	shalt  }
0x80: {  	_ =	shalt  }
0x81: {  	_ =	shalt  }
0x82: {  	_ =	shalt  }
0x83: {  	_ =	shalt  }
0x84: {  	_ =	shalt  }
0x85: {  	_ =	shalt  }
0x86: {  	_ =	shalt  }
0x87: {  	_ =	shalt  }
.Lfunc_end0:
.L_simem_size_0:
called_computation_lowered:
.L_overlay_start_0:
0x88: {  	s2 =	sld [smem:$0x3FD9]  }
0x89: {  	s3 =	sld [smem:$0x3FFE];
	_ =	sdelay $0x1  }
0x8a: {  	s1 =	srdreg.scid  }
0x8b: {  	s0 =	sand.u32 $0x1, s1  }
0x8c: {  	s16 =	sshll.u32 s0, $0xA;
	s2 =	sadd.s32 s3, s2  }
0x8d: {  	s2 =	sadd.s32 s2, s16  }
0x8e: {  	[smem:$0x3FC3] =	sst s2  }
0x8f: {  	_ = 	snop  }
0x90: {  	(tm) =	ssettm $0x1  }
0x91: {  	s17 =	sld [smem:$0x3FFB];
	_ =	sdelay $0x3  }
0x92: {  	_ =	strace s17  }
0x93: {  	s2 =	sld [smem:$0x3FFC];
	_ =	sdelay $0x3  }
0x94: {  	_ =	strace s2  }
0x95: {  	s2 =	sld [smem:$0x3FFD];
	_ =	sdelay $0x3  }
0x96: {  	_ =	strace s2  }
0x97: {  	_ =	strace $0x8FFFFFFF  }
0x98: {  	s18 =	sld [smem:$0x3FDB];
	_ =	sdelay $0x1  }
0x99: {  	s19 =	simm.s32 $_scs_section_size  }
0x9a: {  	s4 =	simm.s32 $_size__tile_overlayer_lowered;
	s5 =	simm.s32 $_tile_overlayer_lowered  }
0x9b: {  	s22 =	simm.s32 $0x1BFF;
	s21 =	sshll.u32 s5, $0x1;
	s2 =	sadd.s32 s19, s18  }
0x9c: {  	s6 =	simm.s32 $0x0;
	s20 =	sshll.u32 s4, $0x1;
	s4 =	sadd.s32 s21, s2  }
0x9d: {  	[timem:s6], [sflag:s22] =	dma.local [hbm:s4], s20  }
0x9e: {  	_ =	swait.ge [sflag:s22], s20  }
0x9f: {  	s3 =	ssub.s32 $0x0, s20;
	[sflag:s22] =	ssyncset.done $0x0  }
0xa0: {  	[sflag:s22] =	ssyncadd.s32 s3;
	_ =	sdelay $0x1  }
0xa1: {  	s23 =	simm.s32 $0x1B8B  }
0xa2: {  	_ =	swait.ge [sflag:s23], $0x1  }
0xa3: {  	[sflag:s23] =	ssyncset.done $0x0  }
0xa4: {  	s25 =	simm.s32 $0x1B8E;
	s24 =	sld [smem:$0x3FFE];
	[sflag:s23] =	ssyncadd.s32 $0xFFFFFFFF  }
0xa5: {  	s26 =	simm.s32 $execute0_lowered;
	[smem:$0x3FD2] =	sst s25  }
0xa6: {  	s4 =	sshll.u32 s26, $0x1;
	_ =	strace $0x80000046;
	[dreg:$0x1] =	wrdreg $0xFFFFFFFF  }
0xa7: {  	s28 =	simm.s32 $_size_execute0_lowered;
	s2 =	sadd.s32 s2, s4;
	[dreg:$0x0] =	wrdreg $0x0  }
0xa8: {  	s4 =	sshll.u32 s28, $0x1;
	[dreg:$0x2] =	wrdreg s2  }
0xa9: {  	[dreg:$0x3] =	wrdreg s4  }
0xaa: {  	[dreg:$0x4] =	wrdreg $0xC0  }
0xab: {  	_ =	task [dreg:s6], $0x5FFFF  }
0xac: {  	[dreg:$0x1] =	wrdreg $0xFFFFFFFF  }
0xad: {  	[dreg:$0x0] =	wrdreg $0x60  }
0xae: {  	[dreg:$0x2] =	wrdreg s24  }
0xaf: {  	[dreg:$0x3] =	wrdreg $0x9  }
0xb0: {  	_ =	task.clear_ibuf [dreg:s6], $0x4FFFF;
	_ =	strace $0x90000046  }
0xb1: {  	s29 =	simm.s32 $0x9;
	_ =	strace $0x80000048  }
0xb2: {  	_ =	swait.ge [sflag:s29], $0x1  }
0xb3: {  	[sflag:s29] =	ssyncadd.s32 $0xFFFFFFFF  }
0xb4: {  	_ =	strace $0x90000048  }
0xb5: {  	_ =	sfence  }
0xb6: {  	s30 =	sld [smem:$0x0];
	_ =	sdelay $0x2  }
0xb7: {  	s31 =	sshll.u32 s1, $0xD;
	s1 =	sshrl.u32 s1, $0x2  }
0xb8: {  	s3 =	sand.u32 $0x4000, s31;
	s1 =	sadd.s32 s1, s30  }
0xb9: {  	s0 =	sor.u32 s3, s0;
	s1 =	sshll.u32 s1, $0x11  }
0xba: {  	s0 =	sor.u32 s1, s0  }
0xbb: {  	s0 =	sadd.s32 $0x8F2B, s0  }
0xbc: {  	[sflag:s0] =	ssyncadd.remote.s32 $0x1  }
0xbd: {  	_ =	sfence.sel $0xFFFF  }
0xbe: {  	[dreg:$0x0] =	wrdreg $0xFFFFFFFF;
	(pc) =	sbr.abs _section_cstart, $3  }
0xbf: {  	[dreg:$0x1] =	wrdreg $0xFFFFFFFF  }
0xc0: {  	_ =	task.clear_ibuf [dreg:s6], $0x2FFFF;
	_ =	strace $0x9FFFFFFF  }
0xc1: {  	(tm) =	ssettm $0x7FFFFFFF  }
tec
execute0_lowered:
.L_overlay_start_1:
0x0: {  	(tag) =	ssettag $0x1  }
0x1: {  	s1 =	stileid.u32  }
0x2: {  	p0 =	sgt.u32 s1, $0x3  }
.Ltmp0:
0x3: {  	_ = 	snop;
	(pc) =	sbr.rel @p0 .LBB2_4-.Ltmp0, $4  }
0x4: {  	_ = 	snop  }
0x5: {  	s2 =	rddreg [dreg:$0x0];
	s3 =	simm.s32 $0x0  }
0x6: {  	[smem:$0x7FF] =	sst s3  }
0x7: {  	s0 =	rddreg [dreg:$0x1];
	_ =	strace $0x80000047  }
0x8: {  	s3 =	srdreg.scid  }
0x9: {  	s3 =	sand.u32 $0x1, s3  }
0xa: {  	s5 =	ssub.s32 $0x2, s3  }
0xb: {  	s29 =	sshrl.u32 s5, $0x1  }
0xc: {  	s4 =	sshll.u32 s1, $0x1;
	s5 =	ssub.s32 s5, s29  }
0xd: {  	s6 =	sadd.s32 $0xC00, s2;
	s3 =	sor.u32 s3, s4;
	s31 =	smax.u32 s5, $0x1  }
0xe: {  	s30 =	sshll.u32 s1, $0x6;
	s3 =	smul.u32 $0x3D09, s3;
	p0 =	sne.s32 s31, $0x1  }
.Ltmp1:
0xf: {  	s7 =	sadd.s32 $0x1F600, s2;
	s4 =	sor.u32 $0x1C01, s30;
	(pc) =	sbr.rel @!p0 .LBB2_3-.Ltmp1, $4  }
0x10: {  	s2 =	sadd.s32 s6, s3;
	s3 =	sadd.s32 s7, s3;
	s5 =	simm.s32 $0x1  }
0x11: {  	[hbm:s3], [sflag:s4] =	dma.local [hbm:s2], $0x3D09  }
0x12: {  	_ =	swait.ge [sflag:s5], $0x3D09  }
0x13: {  	s6 =	sadd.s32 $0xFFFFFFFF, s31;
	[sflag:s5] =	ssyncset.done $0x0  }
.LBB2_2:
0x14: {  	p0 =	sne.s32 s6, $0x1;
	s6 =	sadd.s32 $0xFFFFFFFF, s6;
	[sflag:s5] =	ssyncadd.s32 $0xFFFFC2F7  }
.Ltmp2:
0x15: {  	(pc) =	sbr.rel @p0 .LBB2_2-.Ltmp2, $4  }
0x16: {  	_ = 	snop  }
0x17: {  	[hbm:s3], [sflag:s4] =	dma.local [hbm:s2], $0x3D09  }
0x18: {  	_ =	swait.ge [sflag:s5], $0x3D09  }
0x19: {  	[sflag:s5] =	ssyncset.done $0x0  }
.LBB2_3:
0x1a: {  	[sflag:s5] =	ssyncadd.s32 $0xFFFFC2F7  }
.LBB2_4:
0x1b: {  	_ =	sfence.sel $0x180000  }
0x1c: {  	[bflag:$0x0] =	sbarrier.arrive $0xFFFF  }
0x1d: {  	p0 =	sne.s32 s1, $0x0;
	_ =	strace $0x90000047  }
0x1e: {  	s0 =	sadd.s32 @!p0 $0x100000, s0;
	[bflag:$0x2] =	sbarrier.arrive $0xFFFF  }
0x1f: {  	[sflag:s0] =	ssyncadd.tile.s32 @!p0 $0x1;
	_ =	shalt  }
.Lfunc_end2:
_tile_overlayer_lowered:
.L_overlay_start_2:
0x20: {  	(tag) =	ssettag $0x2  }
0x21: {  	s0 =	rddreg [dreg:$0x0];
	s2 =	stileid.u32  }
0x22: {  	s1 =	rddreg [dreg:$0x1];
	p0 =	sne.s32 s2, $0x0  }
0x23: {  	s3 =	rddreg [dreg:$0x2];
	[bflag:$0x3] =	sbarrier.arrive $0xFFFF;
	s2 =	simm.s32 @!p0 $0x1C01  }
0x24: {  	[timem:s3], [sflag:s2] =	dma.local @!p0 [hbm:s0], s1  }
0x25: {  	s0 =	simm.s32 @!p0 $0x1  }
0x26: {  	_ =	swait.ge @!p0 [sflag:s0], s1  }
0x27: {  	s1 =	ssub.s32 @!p0 $0x0, s1;
	[sflag:s0] =	ssyncset.done @!p0 $0x0  }
0x28: {  	[sflag:s0] =	ssyncadd.s32 @!p0 s1  }
0x29: {  	[bflag:$0x3] =	sbarrier.arrive $0xFFFF  }
0x2a: {  	_ =	shalt  }

// kernel: kernel.8.cloned.1.call-start
scs
__scs_entry_jumppad:
0x0: {  	(pc) =	sbr.rel $0x88, $3  }
0x1: {  	(tag) =	ssettag $0x0;
	lr =	simm.s32 $0x1  }
0x2: {  	[smem:$0x3F9C] =	sst lr;
	_ =	strace $0xD0000000  }
0x3: {  	_ = 	snop  }
0x4: {  	_ = 	snop  }
0x5: {  	_ = 	snop  }
0x6: {  	_ = 	snop  }
0x7: {  	_ = 	snop  }
__scs_overlays_trampoline_lowered:
0x8: {  	[smem:$0x3FAB] =	sst s0  }
0x9: {  	[smem:$0x3FAC] =	sst s1  }
0xa: {  	[smem:$0x3FAD] =	sst s2  }
0xb: {  	[smem:$0x3FAE] =	sst s3  }
0xc: {  	[smem:$0x3FAF] =	sst s4  }
0xd: {  	[smem:$0x3FB0] =	sst s5  }
0xe: {  	[smem:$0x3FB1] =	sst s6  }
0xf: {  	[smem:$0x3FB2] =	sst s7  }
0x10: {  	[smem:$0x3FB3] =	sst s8  }
0x11: {  	[smem:$0x3FB4] =	sst s9;
	s0 =	simm.s32 @!p0 $0x0  }
0x12: {  	s1 =	sld [smem:$0x3F9A];
	s0 =	simm.s32 @p0 $0x1  }
0x13: {  	[smem:$0x3FB5] =	sst s0;
	s0 =	simm.s32 @!p1 $0x0  }
0x14: {  	s2 =	sld [smem:$0x3F99];
	s0 =	simm.s32 @p1 $0x1  }
0x15: {  	[smem:$0x3FB6] =	sst s0;
	s0 =	simm.s32 @!p2 $0x0  }
0x16: {  	s3 =	sld [smem:$0x3FDB];
	s0 =	simm.s32 @p2 $0x1  }
0x17: {  	s4 =	simm.s32 $0x1BF5;
	[smem:$0x3FB8] =	sst s0  }
0x18: {  	s0 =	sld [smem:$0x3F9B];
	_ =	swait.ge [sflag:s4], $0x0  }
0x19: {  	s7 =	sld [smem:$0x3F9C]  }
0x1a: {  	s8 =	sadd.s32 $0xFFFFE003, lr  }
0x1b: {  	s9 =	sadd.s32 $0xFFFFFEF7, lr;
	s5 =	simm.s32 $0xFFFFFFFF;
	p2 =	slt.u32 s8, $0xFFFFF086  }
0x1c: {  	p1 =	slt.u32 s9, $0xF7A;
	s5 =	simm.s32 @!p2 $0x0  }
0x1d: {  	s5 =	simm.s32 @p1 $0x1;
	p0 =	seq.s32 s7, s2  }
0x1e: {  	s7 =	smul.u32 @!p0 $0xF7A, s2;
	p2 =	seq.s32 @!p0 s5, $0x0  }
0x1f: {  	s9 =	smul.u32 $0xF7A, s1;
	s8 =	simm.s32 @!p0 $0x1BF5;
	p2 =	por !p2, p0  }
0x20: {  	[sflag:s8] =	ssyncset.s32 @!p0 $0xFFFFF086;
	s6 =	sadd.s32 @!p0 s3, s7;
	s7 =	simm.s32 @!p0 $0x108  }
0x21: {  	s3 =	sadd.s32 s3, s9;
	s6 =	sadd.s32 @!p0 $0x88, s6;
	s7 =	simm.s32 @p2 $0x1082  }
0x22: {  	[simem:s7], [sflag:s8] =	dma.local @!p0 [hbm:s6], $0xF7A  }
0x23: {  	s9 =	sor.u32 $0xD0000000, s2;
	s6 =	simm.s32 $0x108;
	_ =	swait.ge @!p0 [sflag:s8], $0x0  }
0x24: {  	s3 =	sadd.s32 $0x88, s3;
	s6 =	simm.s32 @!p1 $0x1082;
	[sflag:s4] =	ssyncset.s32 $0xFFFFF086  }
0x25: {  	[simem:s6], [sflag:s4] =	dma.local [hbm:s3], $0xF7A  }
0x26: {  	[smem:$0x3F9C] =	sst s1;
	(tag) =	ssettag s2;
	_ =	strace s9  }
0x27: {  	s1 =	sld [smem:$0x3FAC]  }
0x28: {  	s2 =	sld [smem:$0x3FAD]  }
0x29: {  	s4 =	sld [smem:$0x3FAF]  }
0x2a: {  	p0 =	seq.s32 s5, $0x0;
	s5 =	sld [smem:$0x3FB0]  }
0x2b: {  	s6 =	sld [smem:$0x3FB1]  }
0x2c: {  	s7 =	sld [smem:$0x3FB2]  }
0x2d: {  	s3 =	simm.s32 $0x108;
	s8 =	sld [smem:$0x3FB3]  }
0x2e: {  	s3 =	simm.s32 @!p0 $0x1082;
	s9 =	sld [smem:$0x3FB4]  }
0x2f: {  	lr =	sadd.s32 s0, s3;
	s0 =	sld [smem:$0x3FAB]  }
0x30: {  	s3 =	sld [smem:$0x3FAE]  }
0x31: {  	[smem:$0x3FB7] =	sst s10  }
0x32: {  	s10 =	sld [smem:$0x3FB5];
	_ =	sdelay $0x3  }
0x33: {  	p0 =	seq.s32 s10, $0x1;
	s10 =	sld [smem:$0x3FB7];
	_ =	sdelay $0x3  }
0x34: {  	[smem:$0x3FB7] =	sst s10  }
0x35: {  	s10 =	sld [smem:$0x3FB6];
	_ =	sdelay $0x3  }
0x36: {  	p1 =	seq.s32 s10, $0x1;
	s10 =	sld [smem:$0x3FB7];
	_ =	sdelay $0x3  }
0x37: {  	[smem:$0x3FB7] =	sst s10  }
0x38: {  	s10 =	sld [smem:$0x3FB8]  }
0x39: {  	_ = 	snop;
	(pc) =	sbr.ind lr, $3  }
0x3a: {  	_ = 	snop  }
0x3b: {  	_ = 	snop  }
0x3c: {  	p2 =	seq.s32 s10, $0x1;
	s10 =	sld [smem:$0x3FB7]  }
0x3d: {  	_ =	shalt  }
0x3e: {  	_ =	shalt  }
0x3f: {  	_ =	shalt  }
0x40: {  	_ =	shalt  }
0x41: {  	_ =	shalt  }
0x42: {  	_ =	shalt  }
0x43: {  	_ =	shalt  }
0x44: {  	_ =	shalt  }
0x45: {  	_ =	shalt  }
0x46: {  	_ =	shalt  }
0x47: {  	_ =	shalt  }
0x48: {  	_ =	shalt  }
0x49: {  	_ =	shalt  }
0x4a: {  	_ =	shalt  }
0x4b: {  	_ =	shalt  }
0x4c: {  	_ =	shalt  }
0x4d: {  	_ =	shalt  }
0x4e: {  	_ =	shalt  }
0x4f: {  	_ =	shalt  }
0x50: {  	_ =	shalt  }
0x51: {  	_ =	shalt  }
0x52: {  	_ =	shalt  }
0x53: {  	_ =	shalt  }
0x54: {  	_ =	shalt  }
0x55: {  	_ =	shalt  }
0x56: {  	_ =	shalt  }
0x57: {  	_ =	shalt  }
0x58: {  	_ =	shalt  }
0x59: {  	_ =	shalt  }
0x5a: {  	_ =	shalt  }
0x5b: {  	_ =	shalt  }
0x5c: {  	_ =	shalt  }
0x5d: {  	_ =	shalt  }
0x5e: {  	_ =	shalt  }
0x5f: {  	_ =	shalt  }
0x60: {  	_ =	shalt  }
0x61: {  	_ =	shalt  }
0x62: {  	_ =	shalt  }
0x63: {  	_ =	shalt  }
0x64: {  	_ =	shalt  }
0x65: {  	_ =	shalt  }
0x66: {  	_ =	shalt  }
0x67: {  	_ =	shalt  }
0x68: {  	_ =	shalt  }
0x69: {  	_ =	shalt  }
0x6a: {  	_ =	shalt  }
0x6b: {  	_ =	shalt  }
0x6c: {  	_ =	shalt  }
0x6d: {  	_ =	shalt  }
0x6e: {  	_ =	shalt  }
0x6f: {  	_ =	shalt  }
0x70: {  	_ =	shalt  }
0x71: {  	_ =	shalt  }
0x72: {  	_ =	shalt  }
0x73: {  	_ =	shalt  }
0x74: {  	_ =	shalt  }
0x75: {  	_ =	shalt  }
0x76: {  	_ =	shalt  }
0x77: {  	_ =	shalt  }
0x78: {  	_ =	shalt  }
0x79: {  	_ =	shalt  }
0x7a: {  	_ =	shalt  }
0x7b: {  	_ =	shalt  }
0x7c: {  	_ =	shalt  }
0x7d: {  	_ =	shalt  }
0x7e: {  	_ =	shalt  }
0x7f: {  	_ =	shalt  }
0x80: {  	_ =	shalt  }
0x81: {  	_ =	shalt  }
0x82: {  	_ =	shalt  }
0x83: {  	_ =	shalt  }
0x84: {  	_ =	shalt  }
0x85: {  	_ =	shalt  }
0x86: {  	_ =	shalt  }
0x87: {  	_ =	shalt  }
.Lfunc_end0:
.L_simem_size_0:
called_computation.1_lowered:
.L_overlay_start_0:
0x88: {  	s2 =	sld [smem:$0x3FD9]  }
0x89: {  	s3 =	sld [smem:$0x3FFE];
	_ =	sdelay $0x1  }
0x8a: {  	s1 =	srdreg.scid  }
0x8b: {  	s0 =	sand.u32 $0x1, s1  }
0x8c: {  	s16 =	sshll.u32 s0, $0xA;
	s2 =	sadd.s32 s3, s2  }
0x8d: {  	s2 =	sadd.s32 s2, s16  }
0x8e: {  	[smem:$0x3FC3] =	sst s2  }
0x8f: {  	_ = 	snop  }
0x90: {  	(tm) =	ssettm $0x1  }
0x91: {  	s17 =	sld [smem:$0x3FFB];
	_ =	sdelay $0x3  }
0x92: {  	_ =	strace s17  }
0x93: {  	s2 =	sld [smem:$0x3FFC];
	_ =	sdelay $0x3  }
0x94: {  	_ =	strace s2  }
0x95: {  	s2 =	sld [smem:$0x3FFD];
	_ =	sdelay $0x3  }
0x96: {  	_ =	strace s2  }
0x97: {  	_ =	strace $0x8FFFFFFF  }
0x98: {  	s18 =	sld [smem:$0x3FDB];
	_ =	sdelay $0x1  }
0x99: {  	s19 =	simm.s32 $_scs_section_size  }
0x9a: {  	s4 =	simm.s32 $_size__tile_overlayer_lowered;
	s5 =	simm.s32 $_tile_overlayer_lowered  }
0x9b: {  	s22 =	simm.s32 $0x1BFF;
	s21 =	sshll.u32 s5, $0x1;
	s2 =	sadd.s32 s19, s18  }
0x9c: {  	s6 =	simm.s32 $0x0;
	s20 =	sshll.u32 s4, $0x1;
	s4 =	sadd.s32 s21, s2  }
0x9d: {  	[timem:s6], [sflag:s22] =	dma.local [hbm:s4], s20  }
0x9e: {  	_ =	swait.ge [sflag:s22], s20  }
0x9f: {  	s3 =	ssub.s32 $0x0, s20;
	[sflag:s22] =	ssyncset.done $0x0  }
0xa0: {  	[sflag:s22] =	ssyncadd.s32 s3;
	_ =	sdelay $0x1  }
0xa1: {  	s23 =	simm.s32 $0x1B8B  }
0xa2: {  	_ =	swait.ge [sflag:s23], $0x1  }
0xa3: {  	[sflag:s23] =	ssyncset.done $0x0  }
0xa4: {  	s25 =	simm.s32 $0x1B8E;
	s24 =	sld [smem:$0x3FFE];
	[sflag:s23] =	ssyncadd.s32 $0xFFFFFFFF  }
0xa5: {  	s26 =	simm.s32 $execute0_lowered;
	[smem:$0x3FD2] =	sst s25  }
0xa6: {  	s4 =	sshll.u32 s26, $0x1;
	_ =	strace $0x80000049;
	[dreg:$0x1] =	wrdreg $0xFFFFFFFF  }
0xa7: {  	s28 =	simm.s32 $_size_execute0_lowered;
	s2 =	sadd.s32 s2, s4;
	[dreg:$0x0] =	wrdreg $0x0  }
0xa8: {  	s4 =	sshll.u32 s28, $0x1;
	[dreg:$0x2] =	wrdreg s2  }
0xa9: {  	[dreg:$0x3] =	wrdreg s4  }
0xaa: {  	[dreg:$0x4] =	wrdreg $0xC0  }
0xab: {  	_ =	task [dreg:s6], $0x5FFFF  }
0xac: {  	[dreg:$0x1] =	wrdreg $0xFFFFFFFF  }
0xad: {  	[dreg:$0x0] =	wrdreg $0x60  }
0xae: {  	[dreg:$0x2] =	wrdreg s24  }
0xaf: {  	[dreg:$0x3] =	wrdreg $0x9  }
0xb0: {  	_ =	task.clear_ibuf [dreg:s6], $0x4FFFF;
	_ =	strace $0x90000049  }
0xb1: {  	s29 =	simm.s32 $0x9;
	_ =	strace $0x8000004B  }
0xb2: {  	_ =	swait.ge [sflag:s29], $0x1  }
0xb3: {  	[sflag:s29] =	ssyncadd.s32 $0xFFFFFFFF  }
0xb4: {  	_ =	strace $0x9000004B  }
0xb5: {  	_ =	sfence  }
0xb6: {  	s30 =	sld [smem:$0x0];
	_ =	sdelay $0x2  }
0xb7: {  	s31 =	sshll.u32 s1, $0xD;
	s1 =	sshrl.u32 s1, $0x2  }
0xb8: {  	s3 =	sand.u32 $0x4000, s31;
	s1 =	sadd.s32 s1, s30  }
0xb9: {  	s0 =	sor.u32 s3, s0;
	s1 =	sshll.u32 s1, $0x11  }
0xba: {  	s0 =	sor.u32 s1, s0  }
0xbb: {  	s0 =	sadd.s32 $0x8F2B, s0  }
0xbc: {  	[sflag:s0] =	ssyncadd.remote.s32 $0x1  }
0xbd: {  	_ =	sfence.sel $0xFFFF  }
0xbe: {  	[dreg:$0x0] =	wrdreg $0xFFFFFFFF;
	(pc) =	sbr.abs _section_cstart, $3  }
0xbf: {  	[dreg:$0x1] =	wrdreg $0xFFFFFFFF  }
0xc0: {  	_ =	task.clear_ibuf [dreg:s6], $0x2FFFF;
	_ =	strace $0x9FFFFFFF  }
0xc1: {  	(tm) =	ssettm $0x7FFFFFFF  }
tec
execute0_lowered:
.L_overlay_start_1:
0x0: {  	(tag) =	ssettag $0x1  }
0x1: {  	s7 =	rddreg [dreg:$0x0]  }
0x2: {  	s0 =	rddreg [dreg:$0x1];
	s1 =	simm.s32 $0x0;
	s4 =	srdreg.scid  }
0x3: {  	s12 =	simm.s32 $0xD00;
	s13 =	simm.s32 $0x1000;
	s14 =	simm.s32 $0x2D00  }
0x4: {  	v0 =	vimm.s32 $0x0;
	s15 =	simm.s32 $0x1;
	s16 =	simm.s32 $0x10A00;
	s17 =	simm.s32 $0x0  }
0x5: {  	v1 =	vimm.s32 $0x1;
	v2 =	vimm.s32 $0x2;
	v3 =	vimm.s32 $0x3;
	[smem:$0x7FF] =	sst s1;
	s2 =	sadd.s32 $0x4E000, s7;
	s3 =	sadd.s32 $0x3E000, s7  }
0x6: {  	v4 =	vimm.s32 $0x4;
	v5 =	vimm.s32 $0x5;
	v6 =	vimm.s32 $0x6;
	s5 =	sadd.s32 $0xF80400, s7;
	s8 =	sand.u32 $0x1, s4;
	s6 =	sadd.s32 $0x1F600, s7  }
0x7: {  	v7 =	vimm.s32 $0x7;
	v8 =	vimm.s32 $0x8;
	v9 =	vimm.s32 $0x9;
	s4 =	stileid.u32;
	s7 =	sadd.s32 $0xC00, s7;
	s9 =	ssub.s32 $0x2, s8  }
0x8: {  	v10 =	vimm.s32 $0xA;
	v11 =	vimm.s32 $0xB;
	v12 =	vimm.s32 $0xC;
	s11 =	sshll.u32 s4, $0xA;
	s8 =	sshll.u32 s8, $0x9;
	s10 =	sshrl.u32 s9, $0x1  }
0x9: {  	v13 =	vimm.s32 $0xD;
	v16 =	vimm.f32 $1.000000000e+00;
	vm0 =	vcmask $0x1700;
	_ =	strace $0x8000004A;
	s8 =	sor.u32 s8, s11;
	s9 =	ssub.s32 s9, s10  }
0xa: {  	v14 =	vimm.s32 $0xE;
	v15 =	vimm.s32 $0xF;
	v16 =	vsel vm0, $0x0, v16;
	s11 =	simm.s32 $0x1D00;
	s10 =	simm.s32 $0x2;
	s9 =	smax.u32 s9, $0x1  }
.LBB2_1:
0xb: {  	s18 =	simm.s32 $0x0  }
.LBB2_2:
0xc: {  	s19 =	sshll.u32 s18, $0x7  }
0xd: {  	s19 =	sadd.s32 s8, s19  }
0xe: {  	s21 =	sshll.u32 s19, $0x2  }
0xf: {  	s20 =	simm.s32 $0x0;
	s22 =	sadd.s32 s2, s21  }
0x10: {  	[tilespmem:s20], [sflag:$0x2] =	stream.linear.gather [hbm4b:s22+s20], $0x1000, $0x38;
	[tilespmem:$0x11200] =	vst v63  }
0x11: {  	_ =	swait.ge [sflag:s10], $0x1000  }
0x12: {  	[sflag:s10] =	ssyncset.done $0x0  }
0x13: {  	s21 =	sadd.s32 s3, s21;
	[sflag:s10] =	ssyncadd.s32 $0xFFFFF000  }
0x14: {  	[tilespmem:s11], [sflag:$0x2] =	stream.linear.gather [hbm4b:s21+s20], $0x1000, $0x38;
	[tilespmem:$0x11200] =	vst v63  }
0x15: {  	_ =	swait.ge [sflag:s10], $0x1000  }
0x16: {  	[sflag:s10] =	ssyncset.done $0x0  }
0x17: {  	[sflag:s10] =	ssyncadd.s32 $0xFFFFF000  }
0x18: {  	s22 =	simm.s32 $0x68;
	s21 =	simm.s32 $0x0;
	v17 =	vld [tilespmem:s20+$0x0]  }
.LBB2_3:
0x19: {  	p0 =	sne.s32 s22, $0x3398;
	_ =	sdelay $0x2  }
0x1a: {  	s23 =	sshra.s32 s20, $0x2;
	s20 =	smov.u32 s22  }
0x1b: {  	[tilespmem:s23+$0x1000] =	vst v17  }
0x1c: {  	v17 =	vld [tilespmem:s21+$0xA];
	_ =	sdelay $0x1  }
.Ltmp0:
0x1d: {  	(pc) =	sbr.rel @p0 .LBB2_3-.Ltmp0, $3  }
0x1e: {  	_ =	sdelay $0x1  }
0x1f: {  	s21 =	sadd.s32 $0x20, s21;
	[tilespmem:s23+$0x100A] =	vst v17  }
0x20: {  	s22 =	sadd.s32 $0x68, s22;
	v17 =	vld [tilespmem:s21+$0x0]  }
0x21: {  	_ =	sdelay $0x2  }
0x22: {  	s20 =	sshra.s32 s20, $0x2  }
0x23: {  	[tilespmem:s20+$0x1000] =	vst v17  }
0x24: {  	v17 =	vld [tilespmem:s21+$0xA];
	_ =	sdelay $0x4  }
0x25: {  	[tilespmem:s20+$0x100A] =	vst v17  }
0x26: {  	[tilespmem:s14], [sflag:$0x1] =	stream.indirect.gather [hbm4b:s5+s12], $0x10, s13, s12, $0xb8;
	[tilespmem:$0x11200] =	vst v63  }
0x27: {  	s20 =	simm.s32 $0xFD00  }
0x28: {  	[tilespmem:s20], [sflag:$0x1] =	stream.indirect.gather [hbm4b:s6+s12], $0x1, s13, s12, $0xb8;
	[tilespmem:$0x11200] =	vst v63  }
0x29: {  	_ =	swait.ge [sflag:s15], $0xD000  }
0x2a: {  	[sflag:s15] =	ssyncset.done $0x0  }
0x2b: {  	[sflag:s15] =	ssyncadd.s32 $0xFFFF3000  }
0x2c: {  	_ =	swait.ge [sflag:s15], $0xD00  }
0x2d: {  	[sflag:s15] =	ssyncset.done $0x0  }
0x2e: {  	s21 =	simm.s32 $0x1D00;
	[sflag:s15] =	ssyncadd.s32 $0xFFFFF300  }
0x2f: {  	v17 =	vld [tilespmem:s21+$0x0]  }
0x30: {  	s22 =	simm.s32 $0x2DD0  }
0x31: {  	v18 =	vld [tilespmem:s22+$0xFFFFFF30]  }
0x32: {  	v19 =	vld [tilespmem:s22+$0x20]  }
0x33: {  	v21 =	vld [tilespmem:s22+$0xFFFFFF50]  }
0x34: {  	v22 =	vld [tilespmem:s22+$0xFFFFFF40];
	v20 =	vperm.xlane v17, v0;
	v24 =	vperm.xlane v17, v15  }
0x35: {  	v31 =	vld [tilespmem:s22+$0xFFFFFFC0];
	v25 =	vperm.xlane v17, v2;
	v27 =	vperm.xlane v17, v12  }
0x36: {  	v40 =	vld [tilespmem:s22+$0xFFFFFFF0];
	v29 =	vperm.xlane v17, v11;
	v35 =	vperm.xlane v17, v5  }
0x37: {  	v41 =	vld [tilespmem:s22+$0xFFFFFF80];
	v36 =	vperm.xlane v17, v7;
	v38 =	vperm.xlane v17, v4  }
0x38: {  	v44 =	vld [tilespmem:s22+$0xFFFFFFA0];
	v39 =	vperm.xlane v17, v9;
	v42 =	vperm.xlane v17, v3  }
0x39: {  	v50 =	vld [tilespmem:s22+$0xFFFFFF90];
	v43 =	vperm.xlane v17, v6;
	v18 =	vmul.f32 v20, v18  }
0x3a: {  	v52 =	vld [tilespmem:s22+$0xFFFFFFE0];
	v20 =	vmul.f32 v24, v19;
	v19 =	vperm.xlane v17, v1  }
0x3b: {  	v26 =	vld [tilespmem:s22+$0x10];
	v24 =	vperm.xlane v17, v13;
	v21 =	vmul.f32 v25, v21  }
0x3c: {  	v23 =	vld [tilespmem:s22+$0x0];
	v25 =	vperm.xlane v17, v14;
	v31 =	vmul.f32 v39, v31  }
0x3d: {  	v27 =	vmul.f32 v27, v40;
	v35 =	vmul.f32 v35, v41  }
0x3e: {  	v36 =	vmul.f32 v36, v44;
	v39 =	vmul.f32 v43, v50  }
0x3f: {  	v29 =	vmul.f32 v29, v52;
	v22 =	vmul.f32 v19, v22  }
0x40: {  	v28 =	vld [tilespmem:s22+$0xFFFFFFB0];
	v30 =	vmul.f32 v18, v18;
	v33 =	vmul.f32 v25, v26  }
0x41: {  	v37 =	vld [tilespmem:s22+$0xFFFFFFD0];
	v32 =	vmul.f32 v24, v23;
	v24 =	vperm.xlane v17, v10  }
0x42: {  	v23 =	vld [tilespmem:s22+$0xFFFFFF70];
	v26 =	vperm.xlane v17, v8;
	v55 =	vmul.f32 v27, v27  }
0x43: {  	v25 =	vld [tilespmem:s22+$0xFFFFFF60];
	v56 =	vmul.f32 v35, v35;
	v44 =	vmul.f32 v36, v36  }
0x44: {  	v57 =	vmul.f32 v39, v39;
	v34 =	vmul.f32 v22, v22  }
0x45: {  	v19 =	vmul.f32 v32, v32;
	v49 =	vadd.f32 $0.0e+00, v22;
	v26 =	vmul.f32 v26, v28  }
0x46: {  	v28 =	vadd.f32 $0.0e+00, v21;
	v22 =	vmul.f32 v31, v31;
	v21 =	vmul.f32 v21, v21  }
0x47: {  	v18 =	vadd.f32 $0.0e+00, v18;
	v24 =	vmul.f32 v24, v37;
	v23 =	vmul.f32 v38, v23  }
0x48: {  	v28 =	vadd.f32 v39, v28;
	v21 =	vadd.f32 v57, v21;
	v25 =	vmul.f32 v42, v25  }
0x49: {  	v38 =	vadd.f32 v35, v49;
	v51 =	vmul.f32 v23, v23;
	v23 =	vadd.f32 v23, v18;
	v18 =	vld [tilespmem:s21+$0xA]  }
0x4a: {  	v53 =	vmul.f32 v26, v26;
	v28 =	vadd.f32 v24, v28;
	v54 =	vadd.f32 $0.0e+00, v25  }
0x4b: {  	v59 =	vmul.f32 v25, v25;
	v31 =	vadd.f32 v31, v38;
	v30 =	vadd.f32 v51, v30  }
0x4c: {  	v58 =	vld [tilespmem:s22+$0xA0];
	v37 =	vmul.f32 v29, v29;
	v36 =	vadd.f32 v36, v54;
	v26 =	vadd.f32 v26, v23  }
0x4d: {  	v60 =	vld [tilespmem:s22+$0x50];
	v41 =	vmul.f32 v33, v33;
	v61 =	vadd.f32 v44, v59;
	v30 =	vadd.f32 v53, v30  }
0x4e: {  	v45 =	vld [tilespmem:s22+$0x90];
	v25 =	vadd.f32 v27, v26;
	v26 =	vperm.xlane v18, v13;
	v27 =	vperm.xlane v18, v15  }
0x4f: {  	v46 =	vld [tilespmem:s22+$0x40];
	v39 =	vadd.f32 v29, v36;
	v62 =	vperm.xlane v18, v12;
	v63 =	vperm.xlane v18, v8  }
0x50: {  	v47 =	vperm.xlane v18, v7;
	v23 =	vadd.f32 v55, v30;
	v30 =	vmul.f32 v24, v24  }
0x51: {  	v38 =	vadd.f32 v37, v61;
	v29 =	vperm.xlane v18, v10;
	v24 =	vperm.xlane v18, v14  }
0x52: {  	v36 =	vld [tilespmem:s22+$0x80];
	v26 =	vmul.f32 v26, v58;
	v40 =	vmul.f32 v63, v60;
	v35 =	vadd.f32 v30, v21  }
0x53: {  	s23 =	simm.s32 $0x0;
	v37 =	vld [tilespmem:s22+$0x30];
	v30 =	vadd.f32 v33, v28;
	v28 =	vadd.f32 v32, v31;
	v32 =	vmul.f32 v20, v20  }
0x54: {  	s26 =	simm.s32 $0x40;
	s25 =	simm.s32 $0x2DD0;
	s24 =	simm.s32 $0xFD00;
	v21 =	vld [tilespmem:s22+$0x70];
	v31 =	vadd.f32 v56, v34;
	v34 =	vmul.f32 v62, v45;
	v33 =	vmul.f32 v47, v46  }
.LBB2_5:
0x55: {  	v35 =	vadd.f32 v41, v35;
	v20 =	vadd.f32 v20, v39;
	v39 =	vperm.xlane v18, v11;
	s21 =	sadd.s32 $0x20, s21;
	s20 =	sadd.s32 $0x1A, s20;
	s22 =	sadd.s32 $0x1A0, s22  }
0x56: {  	p0 =	sne.s32 s26, $0x1FC0;
	v43 =	vperm.xlane v18, v9;
	s28 =	smov.u32 s26;
	s26 =	sadd.s32 $0x40, s26;
	v41 =	vmul.f32 v40, v40;
	v42 =	vld [tilespmem:s25+$0x60]  }
0x57: {  	v44 =	vperm.xlane v18, v6;
	v30 =	vadd.f32 v40, v30;
	v40 =	vmul.f32 v34, v34;
	v45 =	vld [tilespmem:s25+$0xC0]  }
0x58: {  	v32 =	vadd.f32 v32, v38;
	v35 =	vadd.f32 v41, v35;
	v36 =	vmul.f32 v39, v36  }
0x59: {  	v38 =	vmul.f32 v33, v33;
	v30 =	vadd.f32 v34, v30;
	v37 =	vmul.f32 v44, v37  }
0x5a: {  	v22 =	vadd.f32 v22, v31;
	v21 =	vmul.f32 v29, v21;
	v29 =	vadd.f32 v40, v35;
	v31 =	vld [tilespmem:s25+$0xB0];
	s25 =	smov.u32 s22  }
0x5b: {  	v28 =	vadd.f32 v33, v28;
	v34 =	vmul.f32 v37, v37;
	v33 =	vmul.f32 v43, v42  }
0x5c: {  	v19 =	vadd.f32 v19, v22;
	v22 =	vmul.f32 v21, v21;
	v27 =	vmul.f32 v27, v45  }
0x5d: {  	v25 =	vadd.f32 v37, v25;
	v20 =	vadd.f32 v33, v20;
	v33 =	vmul.f32 v33, v33  }
0x5e: {  	v19 =	vadd.f32 v38, v19;
	v28 =	vadd.f32 v36, v28;
	v35 =	vmul.f32 v27, v27;
	v37 =	vld [tilespmem:s24+$0xA]  }
0x5f: {  	v23 =	vadd.f32 v34, v23;
	v32 =	vadd.f32 v33, v32;
	v24 =	vmul.f32 v24, v31  }
0x60: {  	v21 =	vadd.f32 v21, v25;
	v25 =	vmul.f32 v26, v26;
	v20 =	vadd.f32 v26, v20  }
0x61: {  	v22 =	vadd.f32 v22, v23;
	v23 =	vmul.f32 v36, v36;
	v26 =	vadd.f32 v27, v28  }
0x62: {  	v21 =	vadd.f32 v24, v21;
	v24 =	vmul.f32 v24, v24;
	v20 =	vadd.f32 v20, v30  }
0x63: {  	v19 =	vadd.f32 v23, v19;
	v23 =	vadd.f32 v25, v32;
	v18 =	vmul.f32 v37, v18  }
0x64: {  	v22 =	vadd.f32 v24, v22;
	v21 =	vadd.f32 v26, v21  }
0x65: {  	v19 =	vadd.f32 v35, v19;
	v23 =	vadd.f32 v23, v29  }
0x66: {  	v20 =	vadd.f32 v21, v20  }
0x67: {  	v19 =	vadd.f32 v19, v22  }
0x68: {  	v21 =	vld [tilespmem:s24+$0x0];
	s24 =	smov.u32 s20  }
0x69: {  	v19 =	vadd.f32 v19, v23;
	v20 =	vmul.f32 v20, v20;
	_ =	sdelay $0x1  }
0x6a: {  	v19 =	vsub.f32 v20, v19;
	_ =	sdelay $0x1  }
0x6b: {  	v19 =	vmul.f32 $5.000000000e-01, v19;
	v17 =	vmul.f32 v21, v17;
	_ =	sdelay $0x1  }
0x6c: {  	v18 =	vmul.f32 v16, v18;
	v17 =	vadd.f32 v19, v17;
	_ =	sdelay $0x1  }
0x6d: {  	v17 =	vadd.f32 v17, v18  }
0x6e: {  	s29 =	sshra.s32 s23, $0x2;
	s23 =	smov.u32 s28  }
0x6f: {  	[tilespmem:s29+$0x10A00] =	vst v17  }
0x70: {  	v18 =	vld [tilespmem:s22+$0x20]  }
0x71: {  	v19 =	vld [tilespmem:s22+$0x0]  }
0x72: {  	v17 =	vld [tilespmem:s21+$0x0]  }
0x73: {  	v22 =	vld [tilespmem:s22+$0x10]  }
0x74: {  	v20 =	vld [tilespmem:s22+$0xFFFFFF30]  }
0x75: {  	v23 =	vld [tilespmem:s22+$0xFFFFFFE0]  }
0x76: {  	v24 =	vld [tilespmem:s22+$0xFFFFFF50]  }
0x77: {  	v25 =	vperm.xlane v17, v0;
	v26 =	vld [tilespmem:s22+$0xFFFFFF40];
	v27 =	vperm.xlane v17, v15  }
0x78: {  	v28 =	vperm.xlane v17, v2;
	v29 =	vperm.xlane v17, v12;
	v21 =	vld [tilespmem:s22+$0x70]  }
0x79: {  	v25 =	vmul.f32 v25, v20;
	v20 =	vmul.f32 v27, v18  }
0x7a: {  	v18 =	vperm.xlane v17, v1;
	v27 =	vperm.xlane v17, v13  }
0x7b: {  	v30 =	vadd.f32 $0.0e+00, v25;
	v24 =	vmul.f32 v28, v24;
	v28 =	vperm.xlane v17, v14  }
0x7c: {  	v31 =	vperm.xlane v17, v11;
	v18 =	vmul.f32 v18, v26;
	v26 =	vld [tilespmem:s22+$0xFFFFFFB0]  }
0x7d: {  	v25 =	vmul.f32 v25, v25;
	v32 =	vld [tilespmem:s22+$0xFFFFFFC0];
	v33 =	vmul.f32 v28, v22  }
0x7e: {  	v36 =	vmul.f32 v27, v19;
	v34 =	vadd.f32 $0.0e+00, v24;
	v28 =	vadd.f32 $0.0e+00, v18;
	v22 =	vld [tilespmem:s22+$0xFFFFFF60]  }
0x7f: {  	v27 =	vperm.xlane v17, v10;
	v37 =	vmul.f32 v18, v18;
	v18 =	vld [tilespmem:s22+$0xFFFFFF70]  }
0x80: {  	v38 =	vperm.xlane v17, v8;
	v19 =	vmul.f32 v36, v36;
	v35 =	vld [tilespmem:s22+$0xFFFFFF80]  }
0x81: {  	v39 =	vperm.xlane v17, v5;
	v40 =	vperm.xlane v17, v7;
	v41 =	vld [tilespmem:s22+$0xFFFFFFD0]  }
0x82: {  	v42 =	vperm.xlane v17, v4;
	v43 =	vperm.xlane v17, v9;
	v44 =	vld [tilespmem:s22+$0xFFFFFFF0]  }
0x83: {  	v45 =	vperm.xlane v17, v3;
	v46 =	vperm.xlane v17, v6;
	v47 =	vld [tilespmem:s22+$0xFFFFFFA0]  }
0x84: {  	v32 =	vmul.f32 v43, v32;
	v18 =	vmul.f32 v42, v18;
	v42 =	vld [tilespmem:s22+$0xFFFFFF90]  }
0x85: {  	v26 =	vmul.f32 v38, v26;
	v43 =	vmul.f32 v45, v22  }
0x86: {  	v22 =	vmul.f32 v32, v32;
	v38 =	vmul.f32 v18, v18  }
0x87: {  	v30 =	vadd.f32 v18, v30;
	v27 =	vmul.f32 v27, v41;
	v29 =	vmul.f32 v29, v44  }
0x88: {  	v35 =	vmul.f32 v39, v35;
	v25 =	vadd.f32 v38, v25;
	v38 =	vmul.f32 v26, v26  }
0x89: {  	v39 =	vadd.f32 $0.0e+00, v43;
	v40 =	vmul.f32 v40, v47;
	v18 =	vld [tilespmem:s21+$0xA];
	v41 =	vmul.f32 v29, v29  }
0x8a: {  	v24 =	vmul.f32 v24, v24;
	v28 =	vadd.f32 v35, v28;
	v42 =	vmul.f32 v46, v42  }
0x8b: {  	v44 =	vmul.f32 v35, v35;
	v45 =	vmul.f32 v40, v40;
	v25 =	vadd.f32 v38, v25  }
0x8c: {  	v26 =	vadd.f32 v26, v30;
	v38 =	vadd.f32 v40, v39;
	v35 =	vmul.f32 v42, v42;
	v30 =	vld [tilespmem:s22+$0xA0]  }
0x8d: {  	v31 =	vmul.f32 v31, v23;
	v39 =	vmul.f32 v43, v43;
	v23 =	vadd.f32 v41, v25  }
0x8e: {  	v40 =	vmul.f32 v27, v27;
	v34 =	vadd.f32 v42, v34;
	v25 =	vadd.f32 v29, v26  }
0x8f: {  	v42 =	vmul.f32 v31, v31;
	v26 =	vadd.f32 v35, v24;
	v29 =	vperm.xlane v18, v13;
	v43 =	vld [tilespmem:s22+$0x50]  }
0x90: {  	v34 =	vadd.f32 v27, v34;
	v24 =	vperm.xlane v18, v14;
	v27 =	vperm.xlane v18, v15;
	v46 =	vld [tilespmem:s22+$0x90]  }
0x91: {  	v28 =	vadd.f32 v32, v28;
	v35 =	vadd.f32 v40, v26;
	v40 =	vld [tilespmem:s22+$0x40];
	v26 =	vmul.f32 v29, v30  }
.Ltmp1:
0x92: {  	v45 =	vadd.f32 v45, v39;
	v30 =	vadd.f32 v33, v34;
	v34 =	vperm.xlane v18, v12;
	(pc) =	sbr.rel @p0 .LBB2_5-.Ltmp1, $4  }
0x93: {  	v32 =	vmul.f32 v20, v20;
	v28 =	vadd.f32 v36, v28;
	v47 =	vperm.xlane v18, v8  }
0x94: {  	v39 =	vadd.f32 v31, v38;
	v48 =	vperm.xlane v18, v7;
	v29 =	vperm.xlane v18, v10  }
0x95: {  	v31 =	vadd.f32 v44, v37;
	v41 =	vmul.f32 v33, v33;
	v36 =	vld [tilespmem:s22+$0x80];
	v34 =	vmul.f32 v34, v46  }
0x96: {  	v38 =	vadd.f32 v42, v45;
	v37 =	vld [tilespmem:s22+$0x30];
	v33 =	vmul.f32 v48, v40;
	v40 =	vmul.f32 v47, v43  }
0x97: {  	v35 =	vadd.f32 v41, v35;
	v48 =	vperm.xlane v18, v11;
	v49 =	vperm.xlane v18, v9  }
0x98: {  	v43 =	vld [tilespmem:s25+$0x60];
	v20 =	vadd.f32 v20, v39;
	v44 =	vperm.xlane v18, v6;
	v50 =	vmul.f32 v34, v34  }
0x99: {  	v51 =	vld [tilespmem:s25+$0xC0];
	v22 =	vadd.f32 v22, v31;
	v42 =	vmul.f32 v40, v40;
	v30 =	vadd.f32 v40, v30  }
0x9a: {  	v21 =	vmul.f32 v29, v21;
	v32 =	vadd.f32 v32, v38;
	v28 =	vadd.f32 v33, v28  }
0x9b: {  	v52 =	vmul.f32 v33, v33;
	v19 =	vadd.f32 v19, v22;
	v35 =	vadd.f32 v42, v35  }
0x9c: {  	v59 =	vmul.f32 v21, v21;
	v36 =	vmul.f32 v48, v36;
	v30 =	vadd.f32 v34, v30  }
0x9d: {  	v54 =	vld [tilespmem:s25+$0xB0];
	v37 =	vmul.f32 v44, v37;
	v19 =	vadd.f32 v52, v19;
	v53 =	vadd.f32 v50, v35  }
0x9e: {  	v55 =	vmul.f32 v49, v43;
	v28 =	vadd.f32 v36, v28;
	v27 =	vmul.f32 v27, v51  }
0x9f: {  	v61 =	vmul.f32 v36, v36;
	v56 =	vmul.f32 v37, v37;
	v57 =	vadd.f32 v37, v25  }
0xa0: {  	v20 =	vadd.f32 v55, v20;
	v58 =	vmul.f32 v55, v55;
	v28 =	vadd.f32 v27, v28  }
0xa1: {  	v27 =	vmul.f32 v27, v27;
	v19 =	vadd.f32 v61, v19;
	v23 =	vadd.f32 v56, v23  }
0xa2: {  	v24 =	vmul.f32 v24, v54;
	v21 =	vadd.f32 v21, v57;
	v25 =	vadd.f32 v58, v32  }
0xa3: {  	v60 =	vmul.f32 v26, v26;
	v20 =	vadd.f32 v26, v20;
	v19 =	vadd.f32 v27, v19  }
0xa4: {  	v23 =	vadd.f32 v59, v23;
	v21 =	vadd.f32 v24, v21;
	v24 =	vmul.f32 v24, v24  }
0xa5: {  	v20 =	vadd.f32 v20, v30;
	v22 =	vadd.f32 v60, v25  }
0xa6: {  	v23 =	vadd.f32 v24, v23;
	v21 =	vadd.f32 v28, v21  }
0xa7: {  	v22 =	vadd.f32 v22, v53  }
0xa8: {  	v62 =	vld [tilespmem:s24+$0xA];
	v20 =	vadd.f32 v21, v20;
	v19 =	vadd.f32 v19, v23  }
0xa9: {  	v63 =	vld [tilespmem:s24+$0x0]  }
0xaa: {  	v19 =	vadd.f32 v19, v22;
	v20 =	vmul.f32 v20, v20;
	_ =	sdelay $0x1  }
0xab: {  	v19 =	vsub.f32 v20, v19  }
0xac: {  	v18 =	vmul.f32 v62, v18  }
0xad: {  	v17 =	vmul.f32 v63, v17;
	v19 =	vmul.f32 $5.000000000e-01, v19;
	_ =	sdelay $0x1  }
0xae: {  	v18 =	vmul.f32 v16, v18;
	v17 =	vadd.f32 v19, v17;
	_ =	sdelay $0x1  }
0xaf: {  	s18 =	sadd.s32 $0x1, s18;
	v17 =	vadd.f32 v17, v18  }
0xb0: {  	s20 =	sshra.s32 s23, $0x2;
	s19 =	sshll.u32 s19, $0x1;
	p0 =	sne.s32 s18, $0x4  }
.Ltmp2:
0xb1: {  	s19 =	sadd.s32 s7, s19;
	[tilespmem:s20+$0x10A00] =	vst v17;
	(pc) =	sbr.rel @p0 .LBB2_2-.Ltmp2, $4  }
0xb2: {  	[hbm4b:s19+s1] =	stream.linear.scatter [tilespmem:s16], [sflag:$0x2], $0x800, $0x38;
	[tilespmem:$0x11200] =	vst v63  }
0xb3: {  	_ =	swait.ge [sflag:s10], $0x800  }
0xb4: {  	[sflag:s10] =	ssyncset.done $0x0  }
0xb5: {  	[sflag:s10] =	ssyncadd.s32 $0xFFFFF800  }
0xb6: {  	s17 =	sadd.s32 $0x1, s17  }
0xb7: {  	p0 =	sne.s32 s17, s9  }
.Ltmp3:
0xb8: {  	_ = 	snop;
	(pc) =	sbr.rel @p0 .LBB2_1-.Ltmp3, $1  }
0xb9: {  	_ =	sdelay $0x3  }
0xba: {  	_ =	sfence.sel $0x180000  }
0xbb: {  	[bflag:$0x0] =	sbarrier.arrive $0xFFFF  }
0xbc: {  	p0 =	sne.s32 s4, $0x0;
	_ =	strace $0x9000004A  }
0xbd: {  	s0 =	sadd.s32 @!p0 $0x100000, s0;
	[bflag:$0x2] =	sbarrier.arrive $0xFFFF  }
0xbe: {  	[sflag:s0] =	ssyncadd.tile.s32 @!p0 $0x1;
	_ =	shalt  }
.Lfunc_end2:
_tile_overlayer_lowered:
.L_overlay_start_2:
0xbf: {  	(tag) =	ssettag $0x2  }
0xc0: {  	s0 =	rddreg [dreg:$0x0];
	s2 =	stileid.u32  }
0xc1: {  	s1 =	rddreg [dreg:$0x1];
	p0 =	sne.s32 s2, $0x0  }
0xc2: {  	s3 =	rddreg [dreg:$0x2];
	[bflag:$0x3] =	sbarrier.arrive $0xFFFF;
	s2 =	simm.s32 @!p0 $0x1C02  }
0xc3: {  	[timem:s3], [sflag:s2] =	dma.local @!p0 [hbm:s0], s1  }
0xc4: {  	s0 =	simm.s32 @!p0 $0x2  }
0xc5: {  	_ =	swait.ge @!p0 [sflag:s0], s1  }
0xc6: {  	s1 =	ssub.s32 @!p0 $0x0, s1;
	[sflag:s0] =	ssyncset.done @!p0 $0x0  }
0xc7: {  	[sflag:s0] =	ssyncadd.s32 @!p0 s1  }
0xc8: {  	[bflag:$0x3] =	sbarrier.arrive $0xFFFF  }
0xc9: {  	_ =	shalt  }

</sc_bundles>
